<compile_context>
chip_gen: v7x
topology: tpu7x:2x2x1
jax: 0.10.2.dev20260603
libtpu: 0.0.44.dev20260713+nightly
codegen_flags: <defaults>
</compile_context>

<pallas_src>
import functools

import jax
import jax.numpy as jnp
from jax import lax
from jax.experimental import pallas as pl
from jax.experimental.pallas import tpu as pltpu
from jax.experimental.pallas import tpu_sc as plsc

B, L = 1024, 200
NPOS = B * L
K = 16
NITEM = 100001
NM, NWK = 24, 52
MROWS = 3
WAROWS = 6
WSPLIT = WAROWS * 8
NW = 32
POS_PER_W = NPOS // NW
CHUNK = 256
NCHUNK = POS_PER_W // CHUNK
GROUPS = CHUNK // 16


def _sc_gather(items, t1, t2, m128, wa, wb):
    mesh = plsc.VectorSubcoreMesh(core_axis_name="c", subcore_axis_name="s")

    @functools.partial(
        pl.kernel,
        out_type=jax.ShapeDtypeStruct((NPOS * 2 * K,), jnp.float32),
        mesh=mesh,
        compiler_params=pltpu.CompilerParams(needs_layout_passes=False),
        scratch_types=[
            pltpu.VMEM((CHUNK,), jnp.int32),
            pltpu.VMEM((CHUNK,), jnp.int32),
            pltpu.VMEM((CHUNK,), jnp.int32),
            pltpu.VMEM((CHUNK,), jnp.int32),
            pltpu.VMEM((CHUNK,), jnp.int32),
            pltpu.VMEM((CHUNK,), jnp.int32),
            pltpu.VMEM((CHUNK, 128), jnp.float32),
            pltpu.VMEM((CHUNK, 128), jnp.float32),
            pltpu.VMEM((CHUNK, 128), jnp.float32),
            pltpu.VMEM((CHUNK * 2 * K,), jnp.float32),
            pltpu.SemaphoreType.DMA,
            pltpu.SemaphoreType.DMA,
            pltpu.SemaphoreType.DMA,
        ],
    )
    def body(items_h, t1_h, t2_h, m_h, wa_h, wb_h, o_h,
             it_v, t1_v, t2_v, im_v, ia_v, ib_v, gm, ga, gb, ob,
             sem_m, sem_a, sem_b):
        wid = lax.axis_index("s") * 2 + lax.axis_index("c")
        lane = lax.iota(jnp.int32, 16)

        @pl.loop(0, NCHUNK)
        def _chunk(c):
            base = wid * POS_PER_W + c * CHUNK
            pltpu.sync_copy(items_h.at[pl.ds(base, CHUNK)], it_v)
            pltpu.sync_copy(t1_h.at[pl.ds(base, CHUNK)], t1_v)
            pltpu.sync_copy(t2_h.at[pl.ds(base, CHUNK)], t2_v)

            @pl.loop(0, GROUPS)
            def _idx(g):
                it = it_v[pl.ds(g * 16, 16)]
                im_v[pl.ds(g * 16, 16)] = (
                    it * MROWS + lax.shift_right_logical(t1_v[pl.ds(g * 16, 16)], 3))
                ia_v[pl.ds(g * 16, 16)] = it * WAROWS + jnp.minimum(
                    lax.shift_right_logical(t2_v[pl.ds(g * 16, 16)], 3), WAROWS - 1)
                ib_v[pl.ds(g * 16, 16)] = it

            cm = pltpu.async_copy(m_h.at[im_v], gm, sem_m)
            ca = pltpu.async_copy(wa_h.at[ia_v], ga, sem_a)
            cb = pltpu.async_copy(wb_h.at[ib_v], gb, sem_b)
            cm.wait()
            ca.wait()
            cb.wait()

            @pl.loop(0, GROUPS)
            def _extract(g):
                rowv = g * 16 + lane
                t2g = t2_v[pl.ds(g * 16, 16)]
                colm = (t1_v[pl.ds(g * 16, 16)] & 7) * 16
                cola = (t2g & 7) * 16
                colb = jnp.maximum(t2g - WSPLIT, 0) * 16
                tail = t2g >= WSPLIT
                tgt = rowv * (2 * K)
                for k in range(K):
                    vm = plsc.load_gather(gm, [rowv, colm + k])
                    plsc.store_scatter(ob, [tgt + k], vm)
                    va = plsc.load_gather(ga, [rowv, cola + k])
                    vb = plsc.load_gather(gb, [rowv, colb + k])
                    plsc.store_scatter(
                        ob, [tgt + (K + k)], jnp.where(tail, vb, va))

            pltpu.sync_copy(ob, o_h.at[pl.ds(base * 2 * K, CHUNK * 2 * K)])

    return body(items, t1, t2, m128, wa, wb)


def kernel(log_seqs, time1_seqs, time2_seqs, month_pop_table, week_pop_table):
    items = log_seqs.reshape(-1).astype(jnp.int32)
    t1 = time1_seqs.reshape(-1).astype(jnp.int32)
    t2 = time2_seqs.reshape(-1).astype(jnp.int32)
    m128 = month_pop_table.T.reshape(NITEM * MROWS, 128)
    wa = week_pop_table.T[:, :WAROWS * 128].reshape(NITEM * WAROWS, 128)
    wb = jnp.pad(week_pop_table[WAROWS * 128:, :].T, ((0, 0), (0, 64)))
    flat = _sc_gather(items, t1, t2, m128, wa, wb)
    return flat.reshape(B, L, 2 * K)

# --- scband reference (transcript-rebuilt; emitter-appended) ---
"""Pipeline reference for scband-popularity-encoding-33595234189645 (READ-ONLY COPY).

The authoritative reference and input builder live on the scoring server;
editing this copy changes nothing except your own understanding.
"""

import jax, jax.numpy as jnp
import numpy as np

B, L = 1024, 200
INPUT1 = 16
INPUT2 = 16
BASE1 = 16
BASE2 = 16
N_ITEMS = 100000
N_MONTHS = 24
N_WEEKS = 52


def setup_inputs(seed: int = 0) -> dict:
    key = jax.random.key(seed)
    k1, k2, k3, k4, k5 = jax.random.split(key, 5)
    log_seqs = jax.random.randint(k1, (B, L), 0, N_ITEMS, dtype=jnp.int64 if jax.config.jax_enable_x64 else jnp.int32)
    time1_seqs = jax.random.randint(k2, (B, L), 0, N_MONTHS, dtype=log_seqs.dtype)
    time2_seqs = jax.random.randint(k3, (B, L), 0, N_WEEKS, dtype=log_seqs.dtype)
    # Popularity tables loaded from disk in the torch module; materialized randomly here.
    # month_pop: [N_MONTHS*BASE1, N_ITEMS]; table prepends a zero column (padding item id 0).
    # input_units == base_dim, so no extra zero rows are prepended.
    month_pop = jax.random.uniform(k4, (N_MONTHS * BASE1, N_ITEMS), dtype=jnp.float32)
    week_pop = jax.random.uniform(k5, (N_WEEKS * BASE2, N_ITEMS), dtype=jnp.float32)
    month_pop_table = jnp.concatenate([jnp.zeros((N_MONTHS * BASE1, 1), dtype=jnp.float32), month_pop], axis=1)
    week_pop_table = jnp.concatenate([jnp.zeros((N_WEEKS * BASE2, 1), dtype=jnp.float32), week_pop], axis=1)
    return {
        "log_seqs": log_seqs,
        "time1_seqs": time1_seqs,
        "time2_seqs": time2_seqs,
        "month_pop_table": month_pop_table,
        "week_pop_table": week_pop_table,
    }


def reference(log_seqs, time1_seqs, time2_seqs, month_pop_table, week_pop_table):
    flat_items = log_seqs.reshape(-1)
    # month popularity gather
    month_rows = (time1_seqs.reshape(-1, 1) * BASE1 + jnp.arange(INPUT1)).reshape(-1)
    month_cols = jnp.repeat(flat_items, INPUT1)
    month_pop = month_pop_table[month_rows, month_cols].reshape(B, L, INPUT1)
    # week popularity gather
    week_rows = (time2_seqs.reshape(-1, 1) * BASE2 + jnp.arange(INPUT2)).reshape(-1)
    week_cols = jnp.repeat(flat_items, INPUT2)
    week_pop = week_pop_table[week_rows, week_cols].reshape(B, L, INPUT2)
    return jnp.concatenate([month_pop, week_pop], axis=2)

if __name__ == "__main__":
    import jax
    _d = setup_inputs()
    print(jax.jit(kernel)(*tuple(_d.values())))

</pallas_src>

<mosaic_0001>
#map = affine_map<(d0, d1) -> (0)>
#map1 = affine_map<(d0, d1) -> (0, 0)>
module attributes {stable_mosaic.version = 14 : i64} {
  func.func @body(%arg0: i32, %arg1: i32, %arg2: memref<204800xi32, #tpu.memory_space<hbm>>, %arg3: memref<204800xi32, #tpu.memory_space<hbm>>, %arg4: memref<204800xi32, #tpu.memory_space<hbm>>, %arg5: memref<300003x128xf32, #tpu.memory_space<hbm>>, %arg6: memref<600006x128xf32, #tpu.memory_space<hbm>>, %arg7: memref<100001x128xf32, #tpu.memory_space<hbm>>, %arg8: memref<6553600xf32, #tpu.memory_space<hbm>>, %arg9: memref<256xi32, #tpu.memory_space<vmem>>, %arg10: memref<256xi32, #tpu.memory_space<vmem>>, %arg11: memref<256xi32, #tpu.memory_space<vmem>>, %arg12: memref<256xi32, #tpu.memory_space<vmem>>, %arg13: memref<256xi32, #tpu.memory_space<vmem>>, %arg14: memref<256xi32, #tpu.memory_space<vmem>>, %arg15: memref<256x128xf32, #tpu.memory_space<vmem>>, %arg16: memref<256x128xf32, #tpu.memory_space<vmem>>, %arg17: memref<256x128xf32, #tpu.memory_space<vmem>>, %arg18: memref<8192xf32, #tpu.memory_space<vmem>>, %arg19: memref<!tpu.dma_semaphore, #tpu.memory_space<semaphore_mem>>, %arg20: memref<!tpu.dma_semaphore, #tpu.memory_space<semaphore_mem>>, %arg21: memref<!tpu.dma_semaphore, #tpu.memory_space<semaphore_mem>>) attributes {dimension_semantics = [#tpu.dimension_semantics<core_parallel>, #tpu.dimension_semantics<subcore_parallel>], iteration_bounds = array<i64: 2, 16>, scalar_prefetch = 0 : i64, scratch_operands = 13 : i64, tpu.core_type = #tpu.core_type<sc_vector_subcore>, window_params = [{transform_indices = #map}, {transform_indices = #map}, {transform_indices = #map}, {transform_indices = #map1}, {transform_indices = #map1}, {transform_indices = #map1}, {transform_indices = #map}]} {
    %mul3A = arith.constant 2 : i32
    %mul3A_0 = arith.muli %arg1, %mul3A : i32
    %add3A = arith.addi %mul3A_0, %arg0 : i32
    %iota3A = tpu.iota {dimensions = array<i32: 0>} : vector<16xi32>
    %scan3A = arith.constant 0 : i32
    %scan3A_1 = arith.constant 25 : i32
    %scan3A_2 = arith.addi %scan3A, %scan3A_1 : i32
    %scan3A_3 = arith.constant 1 : i32
    scf.for %scan3A_5 = %scan3A to %scan3A_2 step %scan3A_3  : i32 {
      %mul3A_6 = arith.constant 1 : i32
      %mul3A_7 = arith.muli %scan3A_5, %mul3A_6 : i32
      %add3A_8 = arith.constant 0 : i32
      %add3A_9 = arith.addi %add3A_8, %mul3A_7 : i32
      %mul3A_10 = arith.constant 6400 : i32
      %mul3A_11 = arith.muli %add3A, %mul3A_10 : i32
      %mul3A_12 = arith.constant 256 : i32
      %mul3A_13 = arith.muli %add3A_9, %mul3A_12 : i32
      %add3A_14 = arith.addi %mul3A_11, %mul3A_13 : i32
      "tpu.region"() ({
        %run_scoped3A = tpu.sem_alloc : memref<!tpu.dma_semaphore, #tpu.memory_space<semaphore_mem>>
        %dma_start3A_45 = tpu.memref_slice %arg2[%add3A_14] : memref<204800xi32, #tpu.memory_space<hbm>> -> memref<256xi32, #tpu.memory_space<hbm>>
        %dma_start3A_46 = tpu.memref_slice %arg2[%add3A_14] : memref<204800xi32, #tpu.memory_space<hbm>> -> memref<256xi32, #tpu.memory_space<hbm>>
        tpu.enqueue_dma source(%dma_start3A_46 : memref<256xi32, #tpu.memory_space<hbm>>) target(%arg9 : memref<256xi32, #tpu.memory_space<vmem>>) target_semaphore(%run_scoped3A : memref<!tpu.dma_semaphore, #tpu.memory_space<semaphore_mem>>)
        %dma_wait3A_47 = tpu.memref_slice %arg2[%add3A_14] : memref<204800xi32, #tpu.memory_space<hbm>> -> memref<256xi32, #tpu.memory_space<hbm>>
        %dma_wait3A_48 = tpu.memref_slice %arg2[%add3A_14] : memref<204800xi32, #tpu.memory_space<hbm>> -> memref<256xi32, #tpu.memory_space<hbm>>
        tpu.wait_dma2 semaphore(%run_scoped3A : memref<!tpu.dma_semaphore, #tpu.memory_space<semaphore_mem>>) src(%dma_wait3A_48 : memref<256xi32, #tpu.memory_space<hbm>>) dst(%arg9 : memref<256xi32, #tpu.memory_space<vmem>>)
        tpu.yield
      }) : () -> ()
      "tpu.region"() ({
        %run_scoped3A = tpu.sem_alloc : memref<!tpu.dma_semaphore, #tpu.memory_space<semaphore_mem>>
        %dma_start3A_45 = tpu.memref_slice %arg3[%add3A_14] : memref<204800xi32, #tpu.memory_space<hbm>> -> memref<256xi32, #tpu.memory_space<hbm>>
        %dma_start3A_46 = tpu.memref_slice %arg3[%add3A_14] : memref<204800xi32, #tpu.memory_space<hbm>> -> memref<256xi32, #tpu.memory_space<hbm>>
        tpu.enqueue_dma source(%dma_start3A_46 : memref<256xi32, #tpu.memory_space<hbm>>) target(%arg10 : memref<256xi32, #tpu.memory_space<vmem>>) target_semaphore(%run_scoped3A : memref<!tpu.dma_semaphore, #tpu.memory_space<semaphore_mem>>)
        %dma_wait3A_47 = tpu.memref_slice %arg3[%add3A_14] : memref<204800xi32, #tpu.memory_space<hbm>> -> memref<256xi32, #tpu.memory_space<hbm>>
        %dma_wait3A_48 = tpu.memref_slice %arg3[%add3A_14] : memref<204800xi32, #tpu.memory_space<hbm>> -> memref<256xi32, #tpu.memory_space<hbm>>
        tpu.wait_dma2 semaphore(%run_scoped3A : memref<!tpu.dma_semaphore, #tpu.memory_space<semaphore_mem>>) src(%dma_wait3A_48 : memref<256xi32, #tpu.memory_space<hbm>>) dst(%arg10 : memref<256xi32, #tpu.memory_space<vmem>>)
        tpu.yield
      }) : () -> ()
      "tpu.region"() ({
        %run_scoped3A = tpu.sem_alloc : memref<!tpu.dma_semaphore, #tpu.memory_space<semaphore_mem>>
        %dma_start3A_45 = tpu.memref_slice %arg4[%add3A_14] : memref<204800xi32, #tpu.memory_space<hbm>> -> memref<256xi32, #tpu.memory_space<hbm>>
        %dma_start3A_46 = tpu.memref_slice %arg4[%add3A_14] : memref<204800xi32, #tpu.memory_space<hbm>> -> memref<256xi32, #tpu.memory_space<hbm>>
        tpu.enqueue_dma source(%dma_start3A_46 : memref<256xi32, #tpu.memory_space<hbm>>) target(%arg11 : memref<256xi32, #tpu.memory_space<vmem>>) target_semaphore(%run_scoped3A : memref<!tpu.dma_semaphore, #tpu.memory_space<semaphore_mem>>)
        %dma_wait3A_47 = tpu.memref_slice %arg4[%add3A_14] : memref<204800xi32, #tpu.memory_space<hbm>> -> memref<256xi32, #tpu.memory_space<hbm>>
        %dma_wait3A_48 = tpu.memref_slice %arg4[%add3A_14] : memref<204800xi32, #tpu.memory_space<hbm>> -> memref<256xi32, #tpu.memory_space<hbm>>
        tpu.wait_dma2 semaphore(%run_scoped3A : memref<!tpu.dma_semaphore, #tpu.memory_space<semaphore_mem>>) src(%dma_wait3A_48 : memref<256xi32, #tpu.memory_space<hbm>>) dst(%arg11 : memref<256xi32, #tpu.memory_space<vmem>>)
        tpu.yield
      }) : () -> ()
      %scan3A_15 = arith.constant 0 : i32
      %scan3A_16 = arith.constant 16 : i32
      %scan3A_17 = arith.addi %scan3A_15, %scan3A_16 : i32
      %scan3A_18 = arith.constant 1 : i32
      scf.for %scan3A_45 = %scan3A_15 to %scan3A_17 step %scan3A_18  : i32 {
        %mul3A_46 = arith.constant 1 : i32
        %mul3A_47 = arith.muli %scan3A_45, %mul3A_46 : i32
        %add3A_48 = arith.constant 0 : i32
        %add3A_49 = arith.addi %add3A_48, %mul3A_47 : i32
        %mul3A_50 = arith.constant 16 : i32
        %mul3A_51 = arith.muli %add3A_49, %mul3A_50 : i32
        %get3A = arith.index_cast %mul3A_51 : i32 to index
        %get3A_52 = tpu.vector_load %arg9[%get3A] {strides = array<i32>} : memref<256xi32, #tpu.memory_space<vmem>>, vector<16xi32>,
        %mul3A_53 = arith.constant 3 : i32
        %mul3A_54 = vector.broadcast %mul3A_53 : i32 to vector<16xi32>
        %mul3A_55 = arith.muli %get3A_52, %mul3A_54 : vector<16xi32>
        %mul3A_56 = arith.constant 16 : i32
        %mul3A_57 = arith.muli %add3A_49, %mul3A_56 : i32
        %get3A_58 = arith.index_cast %mul3A_57 : i32 to index
        %get3A_59 = tpu.vector_load %arg10[%get3A_58] {strides = array<i32>} : memref<256xi32, #tpu.memory_space<vmem>>, vector<16xi32>,
        %shift_right_logical3A = arith.constant 3 : i32
        %shift_right_logical3A_60 = vector.broadcast %shift_right_logical3A : i32 to vector<16xi32>
        %shift_right_logical3A_61 = arith.shrui %get3A_59, %shift_right_logical3A_60 : vector<16xi32>
        %add3A_62 = arith.addi %mul3A_55, %shift_right_logical3A_61 : vector<16xi32>
        %mul3A_63 = arith.constant 16 : i32
        %mul3A_64 = arith.muli %add3A_49, %mul3A_63 : i32
        %swap3A = arith.index_cast %mul3A_64 : i32 to index
        %swap3A_65 = tpu.vector_load %arg12[%swap3A] {strides = array<i32>} : memref<256xi32, #tpu.memory_space<vmem>>, vector<16xi32>,
        tpu.vector_store %arg12[%swap3A], %add3A_62 {strides = array<i32>} : memref<256xi32, #tpu.memory_space<vmem>>, vector<16xi32>,
        %mul3A_66 = arith.constant 6 : i32
        %mul3A_67 = vector.broadcast %mul3A_66 : i32 to vector<16xi32>
        %mul3A_68 = arith.muli %get3A_52, %mul3A_67 : vector<16xi32>
        %mul3A_69 = arith.constant 16 : i32
        %mul3A_70 = arith.muli %add3A_49, %mul3A_69 : i32
        %get3A_71 = arith.index_cast %mul3A_70 : i32 to index
        %get3A_72 = tpu.vector_load %arg11[%get3A_71] {strides = array<i32>} : memref<256xi32, #tpu.memory_space<vmem>>, vector<16xi32>,
        %shift_right_logical3A_73 = arith.constant 3 : i32
        %shift_right_logical3A_74 = vector.broadcast %shift_right_logical3A_73 : i32 to vector<16xi32>
        %shift_right_logical3A_75 = arith.shrui %get3A_72, %shift_right_logical3A_74 : vector<16xi32>
        %min3A = arith.constant 5 : i32
        %min3A_76 = vector.broadcast %min3A : i32 to vector<16xi32>
        %min3A_77 = arith.minsi %shift_right_logical3A_75, %min3A_76 : vector<16xi32>
        %add3A_78 = arith.addi %mul3A_68, %min3A_77 : vector<16xi32>
        %mul3A_79 = arith.constant 16 : i32
        %mul3A_80 = arith.muli %add3A_49, %mul3A_79 : i32
        %swap3A_81 = arith.index_cast %mul3A_80 : i32 to index
        %swap3A_82 = tpu.vector_load %arg13[%swap3A_81] {strides = array<i32>} : memref<256xi32, #tpu.memory_space<vmem>>, vector<16xi32>,
        tpu.vector_store %arg13[%swap3A_81], %add3A_78 {strides = array<i32>} : memref<256xi32, #tpu.memory_space<vmem>>, vector<16xi32>,
        %mul3A_83 = arith.constant 16 : i32
        %mul3A_84 = arith.muli %add3A_49, %mul3A_83 : i32
        %swap3A_85 = arith.index_cast %mul3A_84 : i32 to index
        %swap3A_86 = tpu.vector_load %arg14[%swap3A_85] {strides = array<i32>} : memref<256xi32, #tpu.memory_space<vmem>>, vector<16xi32>,
        tpu.vector_store %arg14[%swap3A_85], %get3A_52 {strides = array<i32>} : memref<256xi32, #tpu.memory_space<vmem>>, vector<16xi32>,
      }
      %scan3A_19 = arith.constant 16 : i32
      %dma_start3A = arith.constant 0 : i32
      %dma_start3A_20 = arith.constant 0 : i32
      %dma_start3A_21 = tpu.memref_slice %arg5[%dma_start3A, %dma_start3A_20] : memref<300003x128xf32, #tpu.memory_space<hbm>> -> memref<300003x128xf32, #tpu.memory_space<hbm>>
      tpu.enqueue_indirect_dma source(%dma_start3A_21 : memref<300003x128xf32, #tpu.memory_space<hbm>>) target(%arg15 : memref<256x128xf32, #tpu.memory_space<vmem>>) offsets(%arg12 : memref<256xi32, #tpu.memory_space<vmem>>) semaphore(%arg19 : memref<!tpu.dma_semaphore, #tpu.memory_space<semaphore_mem>>)
      %dma_start3A_22 = arith.constant 0 : i32
      %dma_start3A_23 = arith.constant 0 : i32
      %dma_start3A_24 = tpu.memref_slice %arg6[%dma_start3A_22, %dma_start3A_23] : memref<600006x128xf32, #tpu.memory_space<hbm>> -> memref<600006x128xf32, #tpu.memory_space<hbm>>
      tpu.enqueue_indirect_dma source(%dma_start3A_24 : memref<600006x128xf32, #tpu.memory_space<hbm>>) target(%arg16 : memref<256x128xf32, #tpu.memory_space<vmem>>) offsets(%arg13 : memref<256xi32, #tpu.memory_space<vmem>>) semaphore(%arg20 : memref<!tpu.dma_semaphore, #tpu.memory_space<semaphore_mem>>)
      %dma_start3A_25 = arith.constant 0 : i32
      %dma_start3A_26 = arith.constant 0 : i32
      %dma_start3A_27 = tpu.memref_slice %arg7[%dma_start3A_25, %dma_start3A_26] : memref<100001x128xf32, #tpu.memory_space<hbm>> -> memref<100001x128xf32, #tpu.memory_space<hbm>>
      tpu.enqueue_indirect_dma source(%dma_start3A_27 : memref<100001x128xf32, #tpu.memory_space<hbm>>) target(%arg17 : memref<256x128xf32, #tpu.memory_space<vmem>>) offsets(%arg14 : memref<256xi32, #tpu.memory_space<vmem>>) semaphore(%arg21 : memref<!tpu.dma_semaphore, #tpu.memory_space<semaphore_mem>>)
      %dma_wait3A = arith.constant 0 : i32
      %dma_wait3A_28 = arith.constant 0 : i32
      %dma_wait3A_29 = tpu.memref_slice %arg5[%dma_wait3A, %dma_wait3A_28] : memref<300003x128xf32, #tpu.memory_space<hbm>> -> memref<300003x128xf32, #tpu.memory_space<hbm>>
      tpu.wait_indirect_dma semaphore(%arg19 : memref<!tpu.dma_semaphore, #tpu.memory_space<semaphore_mem>>) src(%dma_wait3A_29 : memref<300003x128xf32, #tpu.memory_space<hbm>>) dst(%arg15 : memref<256x128xf32, #tpu.memory_space<vmem>>)
      %dma_wait3A_30 = arith.constant 0 : i32
      %dma_wait3A_31 = arith.constant 0 : i32
      %dma_wait3A_32 = tpu.memref_slice %arg6[%dma_wait3A_30, %dma_wait3A_31] : memref<600006x128xf32, #tpu.memory_space<hbm>> -> memref<600006x128xf32, #tpu.memory_space<hbm>>
      tpu.wait_indirect_dma semaphore(%arg20 : memref<!tpu.dma_semaphore, #tpu.memory_space<semaphore_mem>>) src(%dma_wait3A_32 : memref<600006x128xf32, #tpu.memory_space<hbm>>) dst(%arg16 : memref<256x128xf32, #tpu.memory_space<vmem>>)
      %dma_wait3A_33 = arith.constant 0 : i32
      %dma_wait3A_34 = arith.constant 0 : i32
      %dma_wait3A_35 = tpu.memref_slice %arg7[%dma_wait3A_33, %dma_wait3A_34] : memref<100001x128xf32, #tpu.memory_space<hbm>> -> memref<100001x128xf32, #tpu.memory_space<hbm>>
      tpu.wait_indirect_dma semaphore(%arg21 : memref<!tpu.dma_semaphore, #tpu.memory_space<semaphore_mem>>) src(%dma_wait3A_35 : memref<100001x128xf32, #tpu.memory_space<hbm>>) dst(%arg17 : memref<256x128xf32, #tpu.memory_space<vmem>>)
      %scan3A_36 = arith.constant 0 : i32
      %scan3A_37 = arith.constant 16 : i32
      %scan3A_38 = arith.addi %scan3A_36, %scan3A_37 : i32
      %scan3A_39 = arith.constant 1 : i32
      scf.for %scan3A_45 = %scan3A_36 to %scan3A_38 step %scan3A_39  : i32 {
        %mul3A_46 = arith.constant 1 : i32
        %mul3A_47 = arith.muli %scan3A_45, %mul3A_46 : i32
        %add3A_48 = arith.constant 0 : i32
        %add3A_49 = arith.addi %add3A_48, %mul3A_47 : i32
        %mul3A_50 = arith.constant 16 : i32
        %mul3A_51 = arith.muli %add3A_49, %mul3A_50 : i32
        %add3A_52 = vector.broadcast %mul3A_51 : i32 to vector<16xi32>
        %add3A_53 = arith.addi %add3A_52, %iota3A : vector<16xi32>
        %mul3A_54 = arith.constant 16 : i32
        %mul3A_55 = arith.muli %add3A_49, %mul3A_54 : i32
        %get3A = arith.index_cast %mul3A_55 : i32 to index
        %get3A_56 = tpu.vector_load %arg11[%get3A] {strides = array<i32>} : memref<256xi32, #tpu.memory_space<vmem>>, vector<16xi32>,
        %mul3A_57 = arith.constant 16 : i32
        %mul3A_58 = arith.muli %add3A_49, %mul3A_57 : i32
        %get3A_59 = arith.index_cast %mul3A_58 : i32 to index
        %get3A_60 = tpu.vector_load %arg10[%get3A_59] {strides = array<i32>} : memref<256xi32, #tpu.memory_space<vmem>>, vector<16xi32>,
        %and3A = arith.constant 7 : i32
        %and3A_61 = vector.broadcast %and3A : i32 to vector<16xi32>
        %and3A_62 = arith.andi %get3A_60, %and3A_61 : vector<16xi32>
        %mul3A_63 = arith.constant 16 : i32
        %mul3A_64 = vector.broadcast %mul3A_63 : i32 to vector<16xi32>
        %mul3A_65 = arith.muli %and3A_62, %mul3A_64 : vector<16xi32>
        %and3A_66 = arith.constant 7 : i32
        %and3A_67 = vector.broadcast %and3A_66 : i32 to vector<16xi32>
        %and3A_68 = arith.andi %get3A_56, %and3A_67 : vector<16xi32>
        %mul3A_69 = arith.constant 16 : i32
        %mul3A_70 = vector.broadcast %mul3A_69 : i32 to vector<16xi32>
        %mul3A_71 = arith.muli %and3A_68, %mul3A_70 : vector<16xi32>
        %sub3A = arith.constant 48 : i32
        %sub3A_72 = vector.broadcast %sub3A : i32 to vector<16xi32>
        %sub3A_73 = arith.subi %get3A_56, %sub3A_72 : vector<16xi32>
        %max3A = arith.constant 0 : i32
        %max3A_74 = vector.broadcast %max3A : i32 to vector<16xi32>
        %max3A_75 = arith.maxsi %sub3A_73, %max3A_74 : vector<16xi32>
        %mul3A_76 = arith.constant 16 : i32
        %mul3A_77 = vector.broadcast %mul3A_76 : i32 to vector<16xi32>
        %mul3A_78 = arith.muli %max3A_75, %mul3A_77 : vector<16xi32>
        %ge3A = arith.constant 48 : i32
        %ge3A_79 = vector.broadcast %ge3A : i32 to vector<16xi32>
        %ge3A_80 = arith.cmpi sge, %get3A_56, %ge3A_79 : vector<16xi32>
        %mul3A_81 = arith.constant 32 : i32
        %mul3A_82 = vector.broadcast %mul3A_81 : i32 to vector<16xi32>
        %mul3A_83 = arith.muli %add3A_53, %mul3A_82 : vector<16xi32>
        %add3A_84 = arith.constant 0 : i32
        %add3A_85 = vector.broadcast %add3A_84 : i32 to vector<16xi32>
        %add3A_86 = arith.addi %mul3A_65, %add3A_85 : vector<16xi32>
        %gather3A = tpu.vector_load_idx %arg15[%add3A_53, %add3A_86] : memref<256x128xf32, #tpu.memory_space<vmem>>[vector<16xi32>, vector<16xi32>], vector<16xf32>,
        %add3A_87 = arith.constant 0 : i32
        %add3A_88 = vector.broadcast %add3A_87 : i32 to vector<16xi32>
        %add3A_89 = arith.addi %mul3A_83, %add3A_88 : vector<16xi32>
        tpu.vector_store_idx %arg18[%add3A_89], %gather3A : memref<8192xf32, #tpu.memory_space<vmem>>[vector<16xi32>], vector<16xf32>,
        %add3A_90 = arith.constant 0 : i32
        %add3A_91 = vector.broadcast %add3A_90 : i32 to vector<16xi32>
        %add3A_92 = arith.addi %mul3A_71, %add3A_91 : vector<16xi32>
        %gather3A_93 = tpu.vector_load_idx %arg16[%add3A_53, %add3A_92] : memref<256x128xf32, #tpu.memory_space<vmem>>[vector<16xi32>, vector<16xi32>], vector<16xf32>,
        %add3A_94 = arith.constant 0 : i32
        %add3A_95 = vector.broadcast %add3A_94 : i32 to vector<16xi32>
        %add3A_96 = arith.addi %mul3A_78, %add3A_95 : vector<16xi32>
        %gather3A_97 = tpu.vector_load_idx %arg17[%add3A_53, %add3A_96] : memref<256x128xf32, #tpu.memory_space<vmem>>[vector<16xi32>, vector<16xi32>], vector<16xf32>,
        %add3A_98 = arith.constant 16 : i32
        %add3A_99 = vector.broadcast %add3A_98 : i32 to vector<16xi32>
        %add3A_100 = arith.addi %mul3A_83, %add3A_99 : vector<16xi32>
        %select_n3A = arith.select %ge3A_80, %gather3A_97, %gather3A_93 : vector<16xi1>, vector<16xf32>
        tpu.vector_store_idx %arg18[%add3A_100], %select_n3A : memref<8192xf32, #tpu.memory_space<vmem>>[vector<16xi32>], vector<16xf32>,
        %add3A_101 = arith.constant 1 : i32
        %add3A_102 = vector.broadcast %add3A_101 : i32 to vector<16xi32>
        %add3A_103 = arith.addi %mul3A_65, %add3A_102 : vector<16xi32>
        %gather3A_104 = tpu.vector_load_idx %arg15[%add3A_53, %add3A_103] : memref<256x128xf32, #tpu.memory_space<vmem>>[vector<16xi32>, vector<16xi32>], vector<16xf32>,
        %add3A_105 = arith.constant 1 : i32
        %add3A_106 = vector.broadcast %add3A_105 : i32 to vector<16xi32>
        %add3A_107 = arith.addi %mul3A_83, %add3A_106 : vector<16xi32>
        tpu.vector_store_idx %arg18[%add3A_107], %gather3A_104 : memref<8192xf32, #tpu.memory_space<vmem>>[vector<16xi32>], vector<16xf32>,
        %add3A_108 = arith.constant 1 : i32
        %add3A_109 = vector.broadcast %add3A_108 : i32 to vector<16xi32>
        %add3A_110 = arith.addi %mul3A_71, %add3A_109 : vector<16xi32>
        %gather3A_111 = tpu.vector_load_idx %arg16[%add3A_53, %add3A_110] : memref<256x128xf32, #tpu.memory_space<vmem>>[vector<16xi32>, vector<16xi32>], vector<16xf32>,
        %add3A_112 = arith.constant 1 : i32
        %add3A_113 = vector.broadcast %add3A_112 : i32 to vector<16xi32>
        %add3A_114 = arith.addi %mul3A_78, %add3A_113 : vector<16xi32>
        %gather3A_115 = tpu.vector_load_idx %arg17[%add3A_53, %add3A_114] : memref<256x128xf32, #tpu.memory_space<vmem>>[vector<16xi32>, vector<16xi32>], vector<16xf32>,
        %add3A_116 = arith.constant 17 : i32
        %add3A_117 = vector.broadcast %add3A_116 : i32 to vector<16xi32>
        %add3A_118 = arith.addi %mul3A_83, %add3A_117 : vector<16xi32>
        %select_n3A_119 = arith.select %ge3A_80, %gather3A_115, %gather3A_111 : vector<16xi1>, vector<16xf32>
        tpu.vector_store_idx %arg18[%add3A_118], %select_n3A_119 : memref<8192xf32, #tpu.memory_space<vmem>>[vector<16xi32>], vector<16xf32>,
        %add3A_120 = arith.constant 2 : i32
        %add3A_121 = vector.broadcast %add3A_120 : i32 to vector<16xi32>
        %add3A_122 = arith.addi %mul3A_65, %add3A_121 : vector<16xi32>
        %gather3A_123 = tpu.vector_load_idx %arg15[%add3A_53, %add3A_122] : memref<256x128xf32, #tpu.memory_space<vmem>>[vector<16xi32>, vector<16xi32>], vector<16xf32>,
        %add3A_124 = arith.constant 2 : i32
        %add3A_125 = vector.broadcast %add3A_124 : i32 to vector<16xi32>
        %add3A_126 = arith.addi %mul3A_83, %add3A_125 : vector<16xi32>
        tpu.vector_store_idx %arg18[%add3A_126], %gather3A_123 : memref<8192xf32, #tpu.memory_space<vmem>>[vector<16xi32>], vector<16xf32>,
        %add3A_127 = arith.constant 2 : i32
        %add3A_128 = vector.broadcast %add3A_127 : i32 to vector<16xi32>
        %add3A_129 = arith.addi %mul3A_71, %add3A_128 : vector<16xi32>
        %gather3A_130 = tpu.vector_load_idx %arg16[%add3A_53, %add3A_129] : memref<256x128xf32, #tpu.memory_space<vmem>>[vector<16xi32>, vector<16xi32>], vector<16xf32>,
        %add3A_131 = arith.constant 2 : i32
        %add3A_132 = vector.broadcast %add3A_131 : i32 to vector<16xi32>
        %add3A_133 = arith.addi %mul3A_78, %add3A_132 : vector<16xi32>
        %gather3A_134 = tpu.vector_load_idx %arg17[%add3A_53, %add3A_133] : memref<256x128xf32, #tpu.memory_space<vmem>>[vector<16xi32>, vector<16xi32>], vector<16xf32>,
        %add3A_135 = arith.constant 18 : i32
        %add3A_136 = vector.broadcast %add3A_135 : i32 to vector<16xi32>
        %add3A_137 = arith.addi %mul3A_83, %add3A_136 : vector<16xi32>
        %select_n3A_138 = arith.select %ge3A_80, %gather3A_134, %gather3A_130 : vector<16xi1>, vector<16xf32>
        tpu.vector_store_idx %arg18[%add3A_137], %select_n3A_138 : memref<8192xf32, #tpu.memory_space<vmem>>[vector<16xi32>], vector<16xf32>,
        %add3A_139 = arith.constant 3 : i32
        %add3A_140 = vector.broadcast %add3A_139 : i32 to vector<16xi32>
        %add3A_141 = arith.addi %mul3A_65, %add3A_140 : vector<16xi32>
        %gather3A_142 = tpu.vector_load_idx %arg15[%add3A_53, %add3A_141] : memref<256x128xf32, #tpu.memory_space<vmem>>[vector<16xi32>, vector<16xi32>], vector<16xf32>,
        %add3A_143 = arith.constant 3 : i32
        %add3A_144 = vector.broadcast %add3A_143 : i32 to vector<16xi32>
        %add3A_145 = arith.addi %mul3A_83, %add3A_144 : vector<16xi32>
        tpu.vector_store_idx %arg18[%add3A_145], %gather3A_142 : memref<8192xf32, #tpu.memory_space<vmem>>[vector<16xi32>], vector<16xf32>,
        %add3A_146 = arith.constant 3 : i32
        %add3A_147 = vector.broadcast %add3A_146 : i32 to vector<16xi32>
        %add3A_148 = arith.addi %mul3A_71, %add3A_147 : vector<16xi32>
        %gather3A_149 = tpu.vector_load_idx %arg16[%add3A_53, %add3A_148] : memref<256x128xf32, #tpu.memory_space<vmem>>[vector<16xi32>, vector<16xi32>], vector<16xf32>,
        %add3A_150 = arith.constant 3 : i32
        %add3A_151 = vector.broadcast %add3A_150 : i32 to vector<16xi32>
        %add3A_152 = arith.addi %mul3A_78, %add3A_151 : vector<16xi32>
        %gather3A_153 = tpu.vector_load_idx %arg17[%add3A_53, %add3A_152] : memref<256x128xf32, #tpu.memory_space<vmem>>[vector<16xi32>, vector<16xi32>], vector<16xf32>,
        %add3A_154 = arith.constant 19 : i32
        %add3A_155 = vector.broadcast %add3A_154 : i32 to vector<16xi32>
        %add3A_156 = arith.addi %mul3A_83, %add3A_155 : vector<16xi32>
        %select_n3A_157 = arith.select %ge3A_80, %gather3A_153, %gather3A_149 : vector<16xi1>, vector<16xf32>
        tpu.vector_store_idx %arg18[%add3A_156], %select_n3A_157 : memref<8192xf32, #tpu.memory_space<vmem>>[vector<16xi32>], vector<16xf32>,
        %add3A_158 = arith.constant 4 : i32
        %add3A_159 = vector.broadcast %add3A_158 : i32 to vector<16xi32>
        %add3A_160 = arith.addi %mul3A_65, %add3A_159 : vector<16xi32>
        %gather3A_161 = tpu.vector_load_idx %arg15[%add3A_53, %add3A_160] : memref<256x128xf32, #tpu.memory_space<vmem>>[vector<16xi32>, vector<16xi32>], vector<16xf32>,
        %add3A_162 = arith.constant 4 : i32
        %add3A_163 = vector.broadcast %add3A_162 : i32 to vector<16xi32>
        %add3A_164 = arith.addi %mul3A_83, %add3A_163 : vector<16xi32>
        tpu.vector_store_idx %arg18[%add3A_164], %gather3A_161 : memref<8192xf32, #tpu.memory_space<vmem>>[vector<16xi32>], vector<16xf32>,
        %add3A_165 = arith.constant 4 : i32
        %add3A_166 = vector.broadcast %add3A_165 : i32 to vector<16xi32>
        %add3A_167 = arith.addi %mul3A_71, %add3A_166 : vector<16xi32>
        %gather3A_168 = tpu.vector_load_idx %arg16[%add3A_53, %add3A_167] : memref<256x128xf32, #tpu.memory_space<vmem>>[vector<16xi32>, vector<16xi32>], vector<16xf32>,
        %add3A_169 = arith.constant 4 : i32
        %add3A_170 = vector.broadcast %add3A_169 : i32 to vector<16xi32>
        %add3A_171 = arith.addi %mul3A_78, %add3A_170 : vector<16xi32>
        %gather3A_172 = tpu.vector_load_idx %arg17[%add3A_53, %add3A_171] : memref<256x128xf32, #tpu.memory_space<vmem>>[vector<16xi32>, vector<16xi32>], vector<16xf32>,
        %add3A_173 = arith.constant 20 : i32
        %add3A_174 = vector.broadcast %add3A_173 : i32 to vector<16xi32>
        %add3A_175 = arith.addi %mul3A_83, %add3A_174 : vector<16xi32>
        %select_n3A_176 = arith.select %ge3A_80, %gather3A_172, %gather3A_168 : vector<16xi1>, vector<16xf32>
        tpu.vector_store_idx %arg18[%add3A_175], %select_n3A_176 : memref<8192xf32, #tpu.memory_space<vmem>>[vector<16xi32>], vector<16xf32>,
        %add3A_177 = arith.constant 5 : i32
        %add3A_178 = vector.broadcast %add3A_177 : i32 to vector<16xi32>
        %add3A_179 = arith.addi %mul3A_65, %add3A_178 : vector<16xi32>
        %gather3A_180 = tpu.vector_load_idx %arg15[%add3A_53, %add3A_179] : memref<256x128xf32, #tpu.memory_space<vmem>>[vector<16xi32>, vector<16xi32>], vector<16xf32>,
        %add3A_181 = arith.constant 5 : i32
        %add3A_182 = vector.broadcast %add3A_181 : i32 to vector<16xi32>
        %add3A_183 = arith.addi %mul3A_83, %add3A_182 : vector<16xi32>
        tpu.vector_store_idx %arg18[%add3A_183], %gather3A_180 : memref<8192xf32, #tpu.memory_space<vmem>>[vector<16xi32>], vector<16xf32>,
        %add3A_184 = arith.constant 5 : i32
        %add3A_185 = vector.broadcast %add3A_184 : i32 to vector<16xi32>
        %add3A_186 = arith.addi %mul3A_71, %add3A_185 : vector<16xi32>
        %gather3A_187 = tpu.vector_load_idx %arg16[%add3A_53, %add3A_186] : memref<256x128xf32, #tpu.memory_space<vmem>>[vector<16xi32>, vector<16xi32>], vector<16xf32>,
        %add3A_188 = arith.constant 5 : i32
        %add3A_189 = vector.broadcast %add3A_188 : i32 to vector<16xi32>
        %add3A_190 = arith.addi %mul3A_78, %add3A_189 : vector<16xi32>
        %gather3A_191 = tpu.vector_load_idx %arg17[%add3A_53, %add3A_190] : memref<256x128xf32, #tpu.memory_space<vmem>>[vector<16xi32>, vector<16xi32>], vector<16xf32>,
        %add3A_192 = arith.constant 21 : i32
        %add3A_193 = vector.broadcast %add3A_192 : i32 to vector<16xi32>
        %add3A_194 = arith.addi %mul3A_83, %add3A_193 : vector<16xi32>
        %select_n3A_195 = arith.select %ge3A_80, %gather3A_191, %gather3A_187 : vector<16xi1>, vector<16xf32>
        tpu.vector_store_idx %arg18[%add3A_194], %select_n3A_195 : memref<8192xf32, #tpu.memory_space<vmem>>[vector<16xi32>], vector<16xf32>,
        %add3A_196 = arith.constant 6 : i32
        %add3A_197 = vector.broadcast %add3A_196 : i32 to vector<16xi32>
        %add3A_198 = arith.addi %mul3A_65, %add3A_197 : vector<16xi32>
        %gather3A_199 = tpu.vector_load_idx %arg15[%add3A_53, %add3A_198] : memref<256x128xf32, #tpu.memory_space<vmem>>[vector<16xi32>, vector<16xi32>], vector<16xf32>,
        %add3A_200 = arith.constant 6 : i32
        %add3A_201 = vector.broadcast %add3A_200 : i32 to vector<16xi32>
        %add3A_202 = arith.addi %mul3A_83, %add3A_201 : vector<16xi32>
        tpu.vector_store_idx %arg18[%add3A_202], %gather3A_199 : memref<8192xf32, #tpu.memory_space<vmem>>[vector<16xi32>], vector<16xf32>,
        %add3A_203 = arith.constant 6 : i32
        %add3A_204 = vector.broadcast %add3A_203 : i32 to vector<16xi32>
        %add3A_205 = arith.addi %mul3A_71, %add3A_204 : vector<16xi32>
        %gather3A_206 = tpu.vector_load_idx %arg16[%add3A_53, %add3A_205] : memref<256x128xf32, #tpu.memory_space<vmem>>[vector<16xi32>, vector<16xi32>], vector<16xf32>,
        %add3A_207 = arith.constant 6 : i32
        %add3A_208 = vector.broadcast %add3A_207 : i32 to vector<16xi32>
        %add3A_209 = arith.addi %mul3A_78, %add3A_208 : vector<16xi32>
        %gather3A_210 = tpu.vector_load_idx %arg17[%add3A_53, %add3A_209] : memref<256x128xf32, #tpu.memory_space<vmem>>[vector<16xi32>, vector<16xi32>], vector<16xf32>,
        %add3A_211 = arith.constant 22 : i32
        %add3A_212 = vector.broadcast %add3A_211 : i32 to vector<16xi32>
        %add3A_213 = arith.addi %mul3A_83, %add3A_212 : vector<16xi32>
        %select_n3A_214 = arith.select %ge3A_80, %gather3A_210, %gather3A_206 : vector<16xi1>, vector<16xf32>
        tpu.vector_store_idx %arg18[%add3A_213], %select_n3A_214 : memref<8192xf32, #tpu.memory_space<vmem>>[vector<16xi32>], vector<16xf32>,
        %add3A_215 = arith.constant 7 : i32
        %add3A_216 = vector.broadcast %add3A_215 : i32 to vector<16xi32>
        %add3A_217 = arith.addi %mul3A_65, %add3A_216 : vector<16xi32>
        %gather3A_218 = tpu.vector_load_idx %arg15[%add3A_53, %add3A_217] : memref<256x128xf32, #tpu.memory_space<vmem>>[vector<16xi32>, vector<16xi32>], vector<16xf32>,
        %add3A_219 = arith.constant 7 : i32
        %add3A_220 = vector.broadcast %add3A_219 : i32 to vector<16xi32>
        %add3A_221 = arith.addi %mul3A_83, %add3A_220 : vector<16xi32>
        tpu.vector_store_idx %arg18[%add3A_221], %gather3A_218 : memref<8192xf32, #tpu.memory_space<vmem>>[vector<16xi32>], vector<16xf32>,
        %add3A_222 = arith.constant 7 : i32
        %add3A_223 = vector.broadcast %add3A_222 : i32 to vector<16xi32>
        %add3A_224 = arith.addi %mul3A_71, %add3A_223 : vector<16xi32>
        %gather3A_225 = tpu.vector_load_idx %arg16[%add3A_53, %add3A_224] : memref<256x128xf32, #tpu.memory_space<vmem>>[vector<16xi32>, vector<16xi32>], vector<16xf32>,
        %add3A_226 = arith.constant 7 : i32
        %add3A_227 = vector.broadcast %add3A_226 : i32 to vector<16xi32>
        %add3A_228 = arith.addi %mul3A_78, %add3A_227 : vector<16xi32>
        %gather3A_229 = tpu.vector_load_idx %arg17[%add3A_53, %add3A_228] : memref<256x128xf32, #tpu.memory_space<vmem>>[vector<16xi32>, vector<16xi32>], vector<16xf32>,
        %add3A_230 = arith.constant 23 : i32
        %add3A_231 = vector.broadcast %add3A_230 : i32 to vector<16xi32>
        %add3A_232 = arith.addi %mul3A_83, %add3A_231 : vector<16xi32>
        %select_n3A_233 = arith.select %ge3A_80, %gather3A_229, %gather3A_225 : vector<16xi1>, vector<16xf32>
        tpu.vector_store_idx %arg18[%add3A_232], %select_n3A_233 : memref<8192xf32, #tpu.memory_space<vmem>>[vector<16xi32>], vector<16xf32>,
        %add3A_234 = arith.constant 8 : i32
        %add3A_235 = vector.broadcast %add3A_234 : i32 to vector<16xi32>
        %add3A_236 = arith.addi %mul3A_65, %add3A_235 : vector<16xi32>
        %gather3A_237 = tpu.vector_load_idx %arg15[%add3A_53, %add3A_236] : memref<256x128xf32, #tpu.memory_space<vmem>>[vector<16xi32>, vector<16xi32>], vector<16xf32>,
        %add3A_238 = arith.constant 8 : i32
        %add3A_239 = vector.broadcast %add3A_238 : i32 to vector<16xi32>
        %add3A_240 = arith.addi %mul3A_83, %add3A_239 : vector<16xi32>
        tpu.vector_store_idx %arg18[%add3A_240], %gather3A_237 : memref<8192xf32, #tpu.memory_space<vmem>>[vector<16xi32>], vector<16xf32>,
        %add3A_241 = arith.constant 8 : i32
        %add3A_242 = vector.broadcast %add3A_241 : i32 to vector<16xi32>
        %add3A_243 = arith.addi %mul3A_71, %add3A_242 : vector<16xi32>
        %gather3A_244 = tpu.vector_load_idx %arg16[%add3A_53, %add3A_243] : memref<256x128xf32, #tpu.memory_space<vmem>>[vector<16xi32>, vector<16xi32>], vector<16xf32>,
        %add3A_245 = arith.constant 8 : i32
        %add3A_246 = vector.broadcast %add3A_245 : i32 to vector<16xi32>
        %add3A_247 = arith.addi %mul3A_78, %add3A_246 : vector<16xi32>
        %gather3A_248 = tpu.vector_load_idx %arg17[%add3A_53, %add3A_247] : memref<256x128xf32, #tpu.memory_space<vmem>>[vector<16xi32>, vector<16xi32>], vector<16xf32>,
        %add3A_249 = arith.constant 24 : i32
        %add3A_250 = vector.broadcast %add3A_249 : i32 to vector<16xi32>
        %add3A_251 = arith.addi %mul3A_83, %add3A_250 : vector<16xi32>
        %select_n3A_252 = arith.select %ge3A_80, %gather3A_248, %gather3A_244 : vector<16xi1>, vector<16xf32>
        tpu.vector_store_idx %arg18[%add3A_251], %select_n3A_252 : memref<8192xf32, #tpu.memory_space<vmem>>[vector<16xi32>], vector<16xf32>,
        %add3A_253 = arith.constant 9 : i32
        %add3A_254 = vector.broadcast %add3A_253 : i32 to vector<16xi32>
        %add3A_255 = arith.addi %mul3A_65, %add3A_254 : vector<16xi32>
        %gather3A_256 = tpu.vector_load_idx %arg15[%add3A_53, %add3A_255] : memref<256x128xf32, #tpu.memory_space<vmem>>[vector<16xi32>, vector<16xi32>], vector<16xf32>,
        %add3A_257 = arith.constant 9 : i32
        %add3A_258 = vector.broadcast %add3A_257 : i32 to vector<16xi32>
        %add3A_259 = arith.addi %mul3A_83, %add3A_258 : vector<16xi32>
        tpu.vector_store_idx %arg18[%add3A_259], %gather3A_256 : memref<8192xf32, #tpu.memory_space<vmem>>[vector<16xi32>], vector<16xf32>,
        %add3A_260 = arith.constant 9 : i32
        %add3A_261 = vector.broadcast %add3A_260 : i32 to vector<16xi32>
        %add3A_262 = arith.addi %mul3A_71, %add3A_261 : vector<16xi32>
        %gather3A_263 = tpu.vector_load_idx %arg16[%add3A_53, %add3A_262] : memref<256x128xf32, #tpu.memory_space<vmem>>[vector<16xi32>, vector<16xi32>], vector<16xf32>,
        %add3A_264 = arith.constant 9 : i32
        %add3A_265 = vector.broadcast %add3A_264 : i32 to vector<16xi32>
        %add3A_266 = arith.addi %mul3A_78, %add3A_265 : vector<16xi32>
        %gather3A_267 = tpu.vector_load_idx %arg17[%add3A_53, %add3A_266] : memref<256x128xf32, #tpu.memory_space<vmem>>[vector<16xi32>, vector<16xi32>], vector<16xf32>,
        %add3A_268 = arith.constant 25 : i32
        %add3A_269 = vector.broadcast %add3A_268 : i32 to vector<16xi32>
        %add3A_270 = arith.addi %mul3A_83, %add3A_269 : vector<16xi32>
        %select_n3A_271 = arith.select %ge3A_80, %gather3A_267, %gather3A_263 : vector<16xi1>, vector<16xf32>
        tpu.vector_store_idx %arg18[%add3A_270], %select_n3A_271 : memref<8192xf32, #tpu.memory_space<vmem>>[vector<16xi32>], vector<16xf32>,
        %add3A_272 = arith.constant 10 : i32
        %add3A_273 = vector.broadcast %add3A_272 : i32 to vector<16xi32>
        %add3A_274 = arith.addi %mul3A_65, %add3A_273 : vector<16xi32>
        %gather3A_275 = tpu.vector_load_idx %arg15[%add3A_53, %add3A_274] : memref<256x128xf32, #tpu.memory_space<vmem>>[vector<16xi32>, vector<16xi32>], vector<16xf32>,
        %add3A_276 = arith.constant 10 : i32
        %add3A_277 = vector.broadcast %add3A_276 : i32 to vector<16xi32>
        %add3A_278 = arith.addi %mul3A_83, %add3A_277 : vector<16xi32>
        tpu.vector_store_idx %arg18[%add3A_278], %gather3A_275 : memref<8192xf32, #tpu.memory_space<vmem>>[vector<16xi32>], vector<16xf32>,
        %add3A_279 = arith.constant 10 : i32
        %add3A_280 = vector.broadcast %add3A_279 : i32 to vector<16xi32>
        %add3A_281 = arith.addi %mul3A_71, %add3A_280 : vector<16xi32>
        %gather3A_282 = tpu.vector_load_idx %arg16[%add3A_53, %add3A_281] : memref<256x128xf32, #tpu.memory_space<vmem>>[vector<16xi32>, vector<16xi32>], vector<16xf32>,
        %add3A_283 = arith.constant 10 : i32
        %add3A_284 = vector.broadcast %add3A_283 : i32 to vector<16xi32>
        %add3A_285 = arith.addi %mul3A_78, %add3A_284 : vector<16xi32>
        %gather3A_286 = tpu.vector_load_idx %arg17[%add3A_53, %add3A_285] : memref<256x128xf32, #tpu.memory_space<vmem>>[vector<16xi32>, vector<16xi32>], vector<16xf32>,
        %add3A_287 = arith.constant 26 : i32
        %add3A_288 = vector.broadcast %add3A_287 : i32 to vector<16xi32>
        %add3A_289 = arith.addi %mul3A_83, %add3A_288 : vector<16xi32>
        %select_n3A_290 = arith.select %ge3A_80, %gather3A_286, %gather3A_282 : vector<16xi1>, vector<16xf32>
        tpu.vector_store_idx %arg18[%add3A_289], %select_n3A_290 : memref<8192xf32, #tpu.memory_space<vmem>>[vector<16xi32>], vector<16xf32>,
        %add3A_291 = arith.constant 11 : i32
        %add3A_292 = vector.broadcast %add3A_291 : i32 to vector<16xi32>
        %add3A_293 = arith.addi %mul3A_65, %add3A_292 : vector<16xi32>
        %gather3A_294 = tpu.vector_load_idx %arg15[%add3A_53, %add3A_293] : memref<256x128xf32, #tpu.memory_space<vmem>>[vector<16xi32>, vector<16xi32>], vector<16xf32>,
        %add3A_295 = arith.constant 11 : i32
        %add3A_296 = vector.broadcast %add3A_295 : i32 to vector<16xi32>
        %add3A_297 = arith.addi %mul3A_83, %add3A_296 : vector<16xi32>
        tpu.vector_store_idx %arg18[%add3A_297], %gather3A_294 : memref<8192xf32, #tpu.memory_space<vmem>>[vector<16xi32>], vector<16xf32>,
        %add3A_298 = arith.constant 11 : i32
        %add3A_299 = vector.broadcast %add3A_298 : i32 to vector<16xi32>
        %add3A_300 = arith.addi %mul3A_71, %add3A_299 : vector<16xi32>
        %gather3A_301 = tpu.vector_load_idx %arg16[%add3A_53, %add3A_300] : memref<256x128xf32, #tpu.memory_space<vmem>>[vector<16xi32>, vector<16xi32>], vector<16xf32>,
        %add3A_302 = arith.constant 11 : i32
        %add3A_303 = vector.broadcast %add3A_302 : i32 to vector<16xi32>
        %add3A_304 = arith.addi %mul3A_78, %add3A_303 : vector<16xi32>
        %gather3A_305 = tpu.vector_load_idx %arg17[%add3A_53, %add3A_304] : memref<256x128xf32, #tpu.memory_space<vmem>>[vector<16xi32>, vector<16xi32>], vector<16xf32>,
        %add3A_306 = arith.constant 27 : i32
        %add3A_307 = vector.broadcast %add3A_306 : i32 to vector<16xi32>
        %add3A_308 = arith.addi %mul3A_83, %add3A_307 : vector<16xi32>
        %select_n3A_309 = arith.select %ge3A_80, %gather3A_305, %gather3A_301 : vector<16xi1>, vector<16xf32>
        tpu.vector_store_idx %arg18[%add3A_308], %select_n3A_309 : memref<8192xf32, #tpu.memory_space<vmem>>[vector<16xi32>], vector<16xf32>,
        %add3A_310 = arith.constant 12 : i32
        %add3A_311 = vector.broadcast %add3A_310 : i32 to vector<16xi32>
        %add3A_312 = arith.addi %mul3A_65, %add3A_311 : vector<16xi32>
        %gather3A_313 = tpu.vector_load_idx %arg15[%add3A_53, %add3A_312] : memref<256x128xf32, #tpu.memory_space<vmem>>[vector<16xi32>, vector<16xi32>], vector<16xf32>,
        %add3A_314 = arith.constant 12 : i32
        %add3A_315 = vector.broadcast %add3A_314 : i32 to vector<16xi32>
        %add3A_316 = arith.addi %mul3A_83, %add3A_315 : vector<16xi32>
        tpu.vector_store_idx %arg18[%add3A_316], %gather3A_313 : memref<8192xf32, #tpu.memory_space<vmem>>[vector<16xi32>], vector<16xf32>,
        %add3A_317 = arith.constant 12 : i32
        %add3A_318 = vector.broadcast %add3A_317 : i32 to vector<16xi32>
        %add3A_319 = arith.addi %mul3A_71, %add3A_318 : vector<16xi32>
        %gather3A_320 = tpu.vector_load_idx %arg16[%add3A_53, %add3A_319] : memref<256x128xf32, #tpu.memory_space<vmem>>[vector<16xi32>, vector<16xi32>], vector<16xf32>,
        %add3A_321 = arith.constant 12 : i32
        %add3A_322 = vector.broadcast %add3A_321 : i32 to vector<16xi32>
        %add3A_323 = arith.addi %mul3A_78, %add3A_322 : vector<16xi32>
        %gather3A_324 = tpu.vector_load_idx %arg17[%add3A_53, %add3A_323] : memref<256x128xf32, #tpu.memory_space<vmem>>[vector<16xi32>, vector<16xi32>], vector<16xf32>,
        %add3A_325 = arith.constant 28 : i32
        %add3A_326 = vector.broadcast %add3A_325 : i32 to vector<16xi32>
        %add3A_327 = arith.addi %mul3A_83, %add3A_326 : vector<16xi32>
        %select_n3A_328 = arith.select %ge3A_80, %gather3A_324, %gather3A_320 : vector<16xi1>, vector<16xf32>
        tpu.vector_store_idx %arg18[%add3A_327], %select_n3A_328 : memref<8192xf32, #tpu.memory_space<vmem>>[vector<16xi32>], vector<16xf32>,
        %add3A_329 = arith.constant 13 : i32
        %add3A_330 = vector.broadcast %add3A_329 : i32 to vector<16xi32>
        %add3A_331 = arith.addi %mul3A_65, %add3A_330 : vector<16xi32>
        %gather3A_332 = tpu.vector_load_idx %arg15[%add3A_53, %add3A_331] : memref<256x128xf32, #tpu.memory_space<vmem>>[vector<16xi32>, vector<16xi32>], vector<16xf32>,
        %add3A_333 = arith.constant 13 : i32
        %add3A_334 = vector.broadcast %add3A_333 : i32 to vector<16xi32>
        %add3A_335 = arith.addi %mul3A_83, %add3A_334 : vector<16xi32>
        tpu.vector_store_idx %arg18[%add3A_335], %gather3A_332 : memref<8192xf32, #tpu.memory_space<vmem>>[vector<16xi32>], vector<16xf32>,
        %add3A_336 = arith.constant 13 : i32
        %add3A_337 = vector.broadcast %add3A_336 : i32 to vector<16xi32>
        %add3A_338 = arith.addi %mul3A_71, %add3A_337 : vector<16xi32>
        %gather3A_339 = tpu.vector_load_idx %arg16[%add3A_53, %add3A_338] : memref<256x128xf32, #tpu.memory_space<vmem>>[vector<16xi32>, vector<16xi32>], vector<16xf32>,
        %add3A_340 = arith.constant 13 : i32
        %add3A_341 = vector.broadcast %add3A_340 : i32 to vector<16xi32>
        %add3A_342 = arith.addi %mul3A_78, %add3A_341 : vector<16xi32>
        %gather3A_343 = tpu.vector_load_idx %arg17[%add3A_53, %add3A_342] : memref<256x128xf32, #tpu.memory_space<vmem>>[vector<16xi32>, vector<16xi32>], vector<16xf32>,
        %add3A_344 = arith.constant 29 : i32
        %add3A_345 = vector.broadcast %add3A_344 : i32 to vector<16xi32>
        %add3A_346 = arith.addi %mul3A_83, %add3A_345 : vector<16xi32>
        %select_n3A_347 = arith.select %ge3A_80, %gather3A_343, %gather3A_339 : vector<16xi1>, vector<16xf32>
        tpu.vector_store_idx %arg18[%add3A_346], %select_n3A_347 : memref<8192xf32, #tpu.memory_space<vmem>>[vector<16xi32>], vector<16xf32>,
        %add3A_348 = arith.constant 14 : i32
        %add3A_349 = vector.broadcast %add3A_348 : i32 to vector<16xi32>
        %add3A_350 = arith.addi %mul3A_65, %add3A_349 : vector<16xi32>
        %gather3A_351 = tpu.vector_load_idx %arg15[%add3A_53, %add3A_350] : memref<256x128xf32, #tpu.memory_space<vmem>>[vector<16xi32>, vector<16xi32>], vector<16xf32>,
        %add3A_352 = arith.constant 14 : i32
        %add3A_353 = vector.broadcast %add3A_352 : i32 to vector<16xi32>
        %add3A_354 = arith.addi %mul3A_83, %add3A_353 : vector<16xi32>
        tpu.vector_store_idx %arg18[%add3A_354], %gather3A_351 : memref<8192xf32, #tpu.memory_space<vmem>>[vector<16xi32>], vector<16xf32>,
        %add3A_355 = arith.constant 14 : i32
        %add3A_356 = vector.broadcast %add3A_355 : i32 to vector<16xi32>
        %add3A_357 = arith.addi %mul3A_71, %add3A_356 : vector<16xi32>
        %gather3A_358 = tpu.vector_load_idx %arg16[%add3A_53, %add3A_357] : memref<256x128xf32, #tpu.memory_space<vmem>>[vector<16xi32>, vector<16xi32>], vector<16xf32>,
        %add3A_359 = arith.constant 14 : i32
        %add3A_360 = vector.broadcast %add3A_359 : i32 to vector<16xi32>
        %add3A_361 = arith.addi %mul3A_78, %add3A_360 : vector<16xi32>
        %gather3A_362 = tpu.vector_load_idx %arg17[%add3A_53, %add3A_361] : memref<256x128xf32, #tpu.memory_space<vmem>>[vector<16xi32>, vector<16xi32>], vector<16xf32>,
        %add3A_363 = arith.constant 30 : i32
        %add3A_364 = vector.broadcast %add3A_363 : i32 to vector<16xi32>
        %add3A_365 = arith.addi %mul3A_83, %add3A_364 : vector<16xi32>
        %select_n3A_366 = arith.select %ge3A_80, %gather3A_362, %gather3A_358 : vector<16xi1>, vector<16xf32>
        tpu.vector_store_idx %arg18[%add3A_365], %select_n3A_366 : memref<8192xf32, #tpu.memory_space<vmem>>[vector<16xi32>], vector<16xf32>,
        %add3A_367 = arith.constant 15 : i32
        %add3A_368 = vector.broadcast %add3A_367 : i32 to vector<16xi32>
        %add3A_369 = arith.addi %mul3A_65, %add3A_368 : vector<16xi32>
        %gather3A_370 = tpu.vector_load_idx %arg15[%add3A_53, %add3A_369] : memref<256x128xf32, #tpu.memory_space<vmem>>[vector<16xi32>, vector<16xi32>], vector<16xf32>,
        %add3A_371 = arith.constant 15 : i32
        %add3A_372 = vector.broadcast %add3A_371 : i32 to vector<16xi32>
        %add3A_373 = arith.addi %mul3A_83, %add3A_372 : vector<16xi32>
        tpu.vector_store_idx %arg18[%add3A_373], %gather3A_370 : memref<8192xf32, #tpu.memory_space<vmem>>[vector<16xi32>], vector<16xf32>,
        %add3A_374 = arith.constant 15 : i32
        %add3A_375 = vector.broadcast %add3A_374 : i32 to vector<16xi32>
        %add3A_376 = arith.addi %mul3A_71, %add3A_375 : vector<16xi32>
        %gather3A_377 = tpu.vector_load_idx %arg16[%add3A_53, %add3A_376] : memref<256x128xf32, #tpu.memory_space<vmem>>[vector<16xi32>, vector<16xi32>], vector<16xf32>,
        %add3A_378 = arith.constant 15 : i32
        %add3A_379 = vector.broadcast %add3A_378 : i32 to vector<16xi32>
        %add3A_380 = arith.addi %mul3A_78, %add3A_379 : vector<16xi32>
        %gather3A_381 = tpu.vector_load_idx %arg17[%add3A_53, %add3A_380] : memref<256x128xf32, #tpu.memory_space<vmem>>[vector<16xi32>, vector<16xi32>], vector<16xf32>,
        %add3A_382 = arith.constant 31 : i32
        %add3A_383 = vector.broadcast %add3A_382 : i32 to vector<16xi32>
        %add3A_384 = arith.addi %mul3A_83, %add3A_383 : vector<16xi32>
        %select_n3A_385 = arith.select %ge3A_80, %gather3A_381, %gather3A_377 : vector<16xi1>, vector<16xf32>
        tpu.vector_store_idx %arg18[%add3A_384], %select_n3A_385 : memref<8192xf32, #tpu.memory_space<vmem>>[vector<16xi32>], vector<16xf32>,
      }
      %scan3A_40 = arith.constant 16 : i32
      %mul3A_41 = arith.constant 2 : i32
      %mul3A_42 = arith.muli %add3A_14, %mul3A_41 : i32
      %mul3A_43 = arith.constant 16 : i32
      %mul3A_44 = arith.muli %mul3A_42, %mul3A_43 : i32
      "tpu.region"() ({
        %run_scoped3A = tpu.sem_alloc : memref<!tpu.dma_semaphore, #tpu.memory_space<semaphore_mem>>
        %dma_start3A_45 = tpu.memref_slice %arg8[%mul3A_44] : memref<6553600xf32, #tpu.memory_space<hbm>> -> memref<8192xf32, #tpu.memory_space<hbm>>
        %dma_start3A_46 = tpu.memref_slice %arg8[%mul3A_44] : memref<6553600xf32, #tpu.memory_space<hbm>> -> memref<8192xf32, #tpu.memory_space<hbm>>
        tpu.enqueue_dma source(%arg18 : memref<8192xf32, #tpu.memory_space<vmem>>) target(%dma_start3A_46 : memref<8192xf32, #tpu.memory_space<hbm>>) target_semaphore(%run_scoped3A : memref<!tpu.dma_semaphore, #tpu.memory_space<semaphore_mem>>)
        %dma_wait3A_47 = tpu.memref_slice %arg8[%mul3A_44] : memref<6553600xf32, #tpu.memory_space<hbm>> -> memref<8192xf32, #tpu.memory_space<hbm>>
        %dma_wait3A_48 = tpu.memref_slice %arg8[%mul3A_44] : memref<6553600xf32, #tpu.memory_space<hbm>> -> memref<8192xf32, #tpu.memory_space<hbm>>
        tpu.wait_dma2 semaphore(%run_scoped3A : memref<!tpu.dma_semaphore, #tpu.memory_space<semaphore_mem>>) src(%arg18 : memref<8192xf32, #tpu.memory_space<vmem>>) dst(%dma_wait3A_48 : memref<8192xf32, #tpu.memory_space<hbm>>)
        tpu.yield
      }) : () -> ()
    }
    %scan3A_4 = arith.constant 25 : i32
    return
  }
}

</mosaic_0001>

<sc_bundles>
// kernel: kernel.3.cloned.1.call-start
scs
__scs_entry_jumppad:
0x0: {  	(pc) =	sbr.rel $0x88, $3  }
0x1: {  	(tag) =	ssettag $0x0;
	lr =	simm.s32 $0x1  }
0x2: {  	[smem:$0x3F9C] =	sst lr;
	_ =	strace $0xD0000000  }
0x3: {  	_ = 	snop  }
0x4: {  	_ = 	snop  }
0x5: {  	_ = 	snop  }
0x6: {  	_ = 	snop  }
0x7: {  	_ = 	snop  }
__scs_overlays_trampoline_lowered:
0x8: {  	[smem:$0x3FAB] =	sst s0  }
0x9: {  	[smem:$0x3FAC] =	sst s1  }
0xa: {  	[smem:$0x3FAD] =	sst s2  }
0xb: {  	[smem:$0x3FAE] =	sst s3  }
0xc: {  	[smem:$0x3FAF] =	sst s4  }
0xd: {  	[smem:$0x3FB0] =	sst s5  }
0xe: {  	[smem:$0x3FB1] =	sst s6  }
0xf: {  	[smem:$0x3FB2] =	sst s7  }
0x10: {  	[smem:$0x3FB3] =	sst s8  }
0x11: {  	[smem:$0x3FB4] =	sst s9;
	s0 =	simm.s32 @!p0 $0x0  }
0x12: {  	s1 =	sld [smem:$0x3F9A];
	s0 =	simm.s32 @p0 $0x1  }
0x13: {  	[smem:$0x3FB5] =	sst s0;
	s0 =	simm.s32 @!p1 $0x0  }
0x14: {  	s2 =	sld [smem:$0x3F99];
	s0 =	simm.s32 @p1 $0x1  }
0x15: {  	[smem:$0x3FB6] =	sst s0;
	s0 =	simm.s32 @!p2 $0x0  }
0x16: {  	s3 =	sld [smem:$0x3FDB];
	s0 =	simm.s32 @p2 $0x1  }
0x17: {  	s4 =	simm.s32 $0x1BF5;
	[smem:$0x3FB8] =	sst s0  }
0x18: {  	s0 =	sld [smem:$0x3F9B];
	_ =	swait.ge [sflag:s4], $0x0  }
0x19: {  	s7 =	sld [smem:$0x3F9C]  }
0x1a: {  	s8 =	sadd.s32 $0xFFFFE003, lr  }
0x1b: {  	s9 =	sadd.s32 $0xFFFFFEF7, lr;
	s5 =	simm.s32 $0xFFFFFFFF;
	p2 =	slt.u32 s8, $0xFFFFF086  }
0x1c: {  	p1 =	slt.u32 s9, $0xF7A;
	s5 =	simm.s32 @!p2 $0x0  }
0x1d: {  	s5 =	simm.s32 @p1 $0x1;
	p0 =	seq.s32 s7, s2  }
0x1e: {  	s7 =	smul.u32 @!p0 $0xF7A, s2;
	p2 =	seq.s32 @!p0 s5, $0x0  }
0x1f: {  	s9 =	smul.u32 $0xF7A, s1;
	s8 =	simm.s32 @!p0 $0x1BF5;
	p2 =	por !p2, p0  }
0x20: {  	[sflag:s8] =	ssyncset.s32 @!p0 $0xFFFFF086;
	s6 =	sadd.s32 @!p0 s3, s7;
	s7 =	simm.s32 @!p0 $0x108  }
0x21: {  	s3 =	sadd.s32 s3, s9;
	s6 =	sadd.s32 @!p0 $0x88, s6;
	s7 =	simm.s32 @p2 $0x1082  }
0x22: {  	[simem:s7], [sflag:s8] =	dma.local @!p0 [hbm:s6], $0xF7A  }
0x23: {  	s9 =	sor.u32 $0xD0000000, s2;
	s6 =	simm.s32 $0x108;
	_ =	swait.ge @!p0 [sflag:s8], $0x0  }
0x24: {  	s3 =	sadd.s32 $0x88, s3;
	s6 =	simm.s32 @!p1 $0x1082;
	[sflag:s4] =	ssyncset.s32 $0xFFFFF086  }
0x25: {  	[simem:s6], [sflag:s4] =	dma.local [hbm:s3], $0xF7A  }
0x26: {  	[smem:$0x3F9C] =	sst s1;
	(tag) =	ssettag s2;
	_ =	strace s9  }
0x27: {  	s1 =	sld [smem:$0x3FAC]  }
0x28: {  	s2 =	sld [smem:$0x3FAD]  }
0x29: {  	s4 =	sld [smem:$0x3FAF]  }
0x2a: {  	p0 =	seq.s32 s5, $0x0;
	s5 =	sld [smem:$0x3FB0]  }
0x2b: {  	s6 =	sld [smem:$0x3FB1]  }
0x2c: {  	s7 =	sld [smem:$0x3FB2]  }
0x2d: {  	s3 =	simm.s32 $0x108;
	s8 =	sld [smem:$0x3FB3]  }
0x2e: {  	s3 =	simm.s32 @!p0 $0x1082;
	s9 =	sld [smem:$0x3FB4]  }
0x2f: {  	lr =	sadd.s32 s0, s3;
	s0 =	sld [smem:$0x3FAB]  }
0x30: {  	s3 =	sld [smem:$0x3FAE]  }
0x31: {  	[smem:$0x3FB7] =	sst s10  }
0x32: {  	s10 =	sld [smem:$0x3FB5];
	_ =	sdelay $0x3  }
0x33: {  	p0 =	seq.s32 s10, $0x1;
	s10 =	sld [smem:$0x3FB7];
	_ =	sdelay $0x3  }
0x34: {  	[smem:$0x3FB7] =	sst s10  }
0x35: {  	s10 =	sld [smem:$0x3FB6];
	_ =	sdelay $0x3  }
0x36: {  	p1 =	seq.s32 s10, $0x1;
	s10 =	sld [smem:$0x3FB7];
	_ =	sdelay $0x3  }
0x37: {  	[smem:$0x3FB7] =	sst s10  }
0x38: {  	s10 =	sld [smem:$0x3FB8]  }
0x39: {  	_ = 	snop;
	(pc) =	sbr.ind lr, $3  }
0x3a: {  	_ = 	snop  }
0x3b: {  	_ = 	snop  }
0x3c: {  	p2 =	seq.s32 s10, $0x1;
	s10 =	sld [smem:$0x3FB7]  }
0x3d: {  	_ =	shalt  }
0x3e: {  	_ =	shalt  }
0x3f: {  	_ =	shalt  }
0x40: {  	_ =	shalt  }
0x41: {  	_ =	shalt  }
0x42: {  	_ =	shalt  }
0x43: {  	_ =	shalt  }
0x44: {  	_ =	shalt  }
0x45: {  	_ =	shalt  }
0x46: {  	_ =	shalt  }
0x47: {  	_ =	shalt  }
0x48: {  	_ =	shalt  }
0x49: {  	_ =	shalt  }
0x4a: {  	_ =	shalt  }
0x4b: {  	_ =	shalt  }
0x4c: {  	_ =	shalt  }
0x4d: {  	_ =	shalt  }
0x4e: {  	_ =	shalt  }
0x4f: {  	_ =	shalt  }
0x50: {  	_ =	shalt  }
0x51: {  	_ =	shalt  }
0x52: {  	_ =	shalt  }
0x53: {  	_ =	shalt  }
0x54: {  	_ =	shalt  }
0x55: {  	_ =	shalt  }
0x56: {  	_ =	shalt  }
0x57: {  	_ =	shalt  }
0x58: {  	_ =	shalt  }
0x59: {  	_ =	shalt  }
0x5a: {  	_ =	shalt  }
0x5b: {  	_ =	shalt  }
0x5c: {  	_ =	shalt  }
0x5d: {  	_ =	shalt  }
0x5e: {  	_ =	shalt  }
0x5f: {  	_ =	shalt  }
0x60: {  	_ =	shalt  }
0x61: {  	_ =	shalt  }
0x62: {  	_ =	shalt  }
0x63: {  	_ =	shalt  }
0x64: {  	_ =	shalt  }
0x65: {  	_ =	shalt  }
0x66: {  	_ =	shalt  }
0x67: {  	_ =	shalt  }
0x68: {  	_ =	shalt  }
0x69: {  	_ =	shalt  }
0x6a: {  	_ =	shalt  }
0x6b: {  	_ =	shalt  }
0x6c: {  	_ =	shalt  }
0x6d: {  	_ =	shalt  }
0x6e: {  	_ =	shalt  }
0x6f: {  	_ =	shalt  }
0x70: {  	_ =	shalt  }
0x71: {  	_ =	shalt  }
0x72: {  	_ =	shalt  }
0x73: {  	_ =	shalt  }
0x74: {  	_ =	shalt  }
0x75: {  	_ =	shalt  }
0x76: {  	_ =	shalt  }
0x77: {  	_ =	shalt  }
0x78: {  	_ =	shalt  }
0x79: {  	_ =	shalt  }
0x7a: {  	_ =	shalt  }
0x7b: {  	_ =	shalt  }
0x7c: {  	_ =	shalt  }
0x7d: {  	_ =	shalt  }
0x7e: {  	_ =	shalt  }
0x7f: {  	_ =	shalt  }
0x80: {  	_ =	shalt  }
0x81: {  	_ =	shalt  }
0x82: {  	_ =	shalt  }
0x83: {  	_ =	shalt  }
0x84: {  	_ =	shalt  }
0x85: {  	_ =	shalt  }
0x86: {  	_ =	shalt  }
0x87: {  	_ =	shalt  }
.Lfunc_end0:
.L_simem_size_0:
called_computation.1_lowered:
.L_overlay_start_0:
0x88: {  	s2 =	sld [smem:$0x3FD9]  }
0x89: {  	s3 =	sld [smem:$0x3FFE];
	_ =	sdelay $0x1  }
0x8a: {  	s1 =	srdreg.scid  }
0x8b: {  	s0 =	sand.u32 $0x1, s1  }
0x8c: {  	s17 =	sshll.u32 s0, $0xA;
	s2 =	sadd.s32 s3, s2  }
0x8d: {  	s2 =	sadd.s32 s2, s17  }
0x8e: {  	[smem:$0x3FC3] =	sst s2  }
0x8f: {  	_ = 	snop  }
0x90: {  	s2 =	sld [smem:$0x3FD0];
	(tm) =	ssettm $0x1  }
0x91: {  	s18 =	sld [smem:$0x3FFB];
	_ =	sdelay $0x3  }
0x92: {  	_ =	strace s18  }
0x93: {  	s3 =	sld [smem:$0x3FFC];
	_ =	sdelay $0x3  }
0x94: {  	_ =	strace s3  }
0x95: {  	s3 =	sld [smem:$0x3FFD];
	_ =	sdelay $0x3  }
0x96: {  	_ =	strace s3  }
0x97: {  	_ =	strace $0x8FFFFFFF  }
0x98: {  	s19 =	sld [smem:$0x3FDB];
	_ =	sdelay $0x1  }
0x99: {  	s4 =	simm.s32 $_scs_section_size  }
0x9a: {  	s5 =	simm.s32 $_size__tile_overlayer_lowered;
	s6 =	simm.s32 $_tile_overlayer_lowered  }
0x9b: {  	s22 =	simm.s32 $0x1BFF;
	s21 =	sshll.u32 s6, $0x1;
	s3 =	sadd.s32 s4, s19  }
0x9c: {  	s7 =	simm.s32 $0x0;
	s20 =	sshll.u32 s5, $0x1;
	s5 =	sadd.s32 s21, s3  }
0x9d: {  	[timem:s7], [sflag:s22] =	dma.local [hbm:s5], s20  }
0x9e: {  	_ =	swait.ge [sflag:s22], s20  }
0x9f: {  	s4 =	ssub.s32 $0x0, s20;
	[sflag:s22] =	ssyncset.done $0x0  }
0xa0: {  	[sflag:s22] =	ssyncadd.s32 s4;
	_ =	sdelay $0x1  }
0xa1: {  	s23 =	simm.s32 $0x1B8B  }
0xa2: {  	_ =	swait.ge [sflag:s23], $0x1  }
0xa3: {  	[sflag:s23] =	ssyncset.done $0x0  }
0xa4: {  	s25 =	simm.s32 $0x1B8E;
	s24 =	sld [smem:$0x3FFE];
	[sflag:s23] =	ssyncadd.s32 $0xFFFFFFFF  }
0xa5: {  	s26 =	simm.s32 $execute0_lowered;
	[smem:$0x3FD2] =	sst s25  }
0xa6: {  	s5 =	sshll.u32 s26, $0x1;
	_ =	strace $0x80000049;
	[dreg:$0x1] =	wrdreg $0xFFFFFFFF  }
0xa7: {  	s28 =	simm.s32 $_size_execute0_lowered;
	s3 =	sadd.s32 s3, s5;
	[dreg:$0x0] =	wrdreg $0x0  }
0xa8: {  	s5 =	sshll.u32 s28, $0x1;
	[dreg:$0x2] =	wrdreg s3  }
0xa9: {  	[dreg:$0x3] =	wrdreg s5  }
0xaa: {  	[dreg:$0x4] =	wrdreg $0xC0  }
0xab: {  	_ =	task [dreg:s7], $0x5FFFF  }
0xac: {  	[dreg:$0x1] =	wrdreg $0xFFFFFFFF  }
0xad: {  	[dreg:$0x0] =	wrdreg $0x60  }
0xae: {  	[dreg:$0x2] =	wrdreg s24  }
0xaf: {  	[dreg:$0x3] =	wrdreg s2  }
0xb0: {  	[dreg:$0x4] =	wrdreg $0x9  }
0xb1: {  	_ =	task.clear_ibuf [dreg:s7], $0x5FFFF;
	_ =	strace $0x90000049  }
0xb2: {  	s29 =	simm.s32 $0x9;
	_ =	strace $0x8000004B  }
0xb3: {  	_ =	swait.ge [sflag:s29], $0x1  }
0xb4: {  	[sflag:s29] =	ssyncadd.s32 $0xFFFFFFFF  }
0xb5: {  	_ =	strace $0x9000004B  }
0xb6: {  	_ =	sfence  }
0xb7: {  	s30 =	sld [smem:$0x0];
	_ =	sdelay $0x2  }
0xb8: {  	s31 =	sshll.u32 s1, $0xD;
	s1 =	sshrl.u32 s1, $0x2  }
0xb9: {  	s3 =	sand.u32 $0x4000, s31;
	s1 =	sadd.s32 s1, s30  }
0xba: {  	s0 =	sor.u32 s3, s0;
	s1 =	sshll.u32 s1, $0x11  }
0xbb: {  	s0 =	sor.u32 s1, s0  }
0xbc: {  	s0 =	sadd.s32 $0x8F2B, s0  }
0xbd: {  	[sflag:s0] =	ssyncadd.remote.s32 $0x1  }
0xbe: {  	_ =	sfence.sel $0xFFFF  }
0xbf: {  	[dreg:$0x0] =	wrdreg $0xFFFFFFFF;
	(pc) =	sbr.abs _section_cstart, $3  }
0xc0: {  	[dreg:$0x1] =	wrdreg $0xFFFFFFFF  }
0xc1: {  	_ =	task.clear_ibuf [dreg:s7], $0x2FFFF;
	_ =	strace $0x9FFFFFFF  }
0xc2: {  	(tm) =	ssettm $0x7FFFFFFF  }
0xc3: {  	_ =	shalt  }
tec
execute0_lowered:
.L_overlay_start_1:
0x0: {  	(tag) =	ssettag $0x1  }
0x1: {  	s9 =	rddreg [dreg:$0x0]  }
0x2: {  	s1 =	rddreg [dreg:$0x1]  }
0x3: {  	s2 =	simm.s32 $0x0;
	s7 =	srdreg.scid;
	s3 =	stileid.u32  }
0x4: {  	s14 =	simm.s32 $0x200;
	s15 =	simm.s32 $0x300;
	s16 =	simm.s32 $0x600  }
0x5: {  	s17 =	simm.s32 $0x400;
	s18 =	simm.s32 $0x8600;
	s19 =	simm.s32 $0x500  }
0x6: {  	s20 =	simm.s32 $0x10600;
	s21 =	simm.s32 $0x1;
	s22 =	simm.s32 $0x2  }
0x7: {  	s23 =	simm.s32 $0x3;
	s24 =	simm.s32 $0x18600;
	[smem:$0x7FF] =	sst s2  }
0x8: {  	s25 =	simm.s32 $0x0;
	s4 =	sadd.s32 $0x186DA00, s9;
	s5 =	sadd.s32 $0x1873E00, s9  }
0x9: {  	s6 =	sadd.s32 $0x187A200, s9;
	s10 =	sand.u32 $0x1, s7;
	s7 =	sadd.s32 $0x1252E00, s9  }
0xa: {  	s12 =	sshll.u32 s3, $0x1;
	s8 =	sadd.s32 $0xE00, s9;
	s11 =	ssub.s32 $0x2, s10  }
0xb: {  	s9 =	sadd.s32 $0x1880600, s9;
	_ =	strace $0x8000004A;
	s13 =	sshrl.u32 s11, $0x1  }
0xc: {  	s10 =	sor.u32 s10, s12;
	s12 =	simm.s32 $0x4;
	s11 =	ssub.s32 s11, s13  }
0xd: {  	v0 =	vlaneseq.u32;
	s10 =	smul.u32 $0x1900, s10;
	s13 =	simm.s32 $0x100;
	s11 =	smax.u32 s11, $0x1  }
.LBB2_1:
0xe: {  	s26 =	simm.s32 $0x0  }
.LBB2_2:
0xf: {  	s28 =	sshll.u32 s26, $0x8  }
0x10: {  	s28 =	sadd.s32 s10, s28  }
0x11: {  	s29 =	sshrl.u32 s28, $0x3  }
0x12: {  	s31 =	simm.s32 $0x0;
	s30 =	sadd.s32 s4, s29  }
0x13: {  	[tilespmem:s31], [sflag:$0x4] =	stream.linear.gather [hbm4b:s30+s31], $0x100, $0x38;
	[tilespmem:$0x1A600] =	vst v63  }
0x14: {  	_ =	swait.ge [sflag:s12], $0x100  }
0x15: {  	[sflag:s12] =	ssyncset.done $0x0  }
0x16: {  	s30 =	sadd.s32 s5, s29;
	[sflag:s12] =	ssyncadd.s32 $0xFFFFFF00  }
0x17: {  	[tilespmem:s13], [sflag:$0x4] =	stream.linear.gather [hbm4b:s30+s31], $0x100, $0x38;
	[tilespmem:$0x1A600] =	vst v63  }
0x18: {  	_ =	swait.ge [sflag:s12], $0x100  }
0x19: {  	[sflag:s12] =	ssyncset.done $0x0  }
0x1a: {  	s29 =	sadd.s32 s6, s29;
	[sflag:s12] =	ssyncadd.s32 $0xFFFFFF00  }
0x1b: {  	[tilespmem:s14], [sflag:$0x4] =	stream.linear.gather [hbm4b:s29+s31], $0x100, $0x38;
	[tilespmem:$0x1A600] =	vst v63  }
0x1c: {  	_ =	swait.ge [sflag:s12], $0x100  }
0x1d: {  	[sflag:s12] =	ssyncset.done $0x0  }
0x1e: {  	s29 =	simm.s32 $0x0;
	[sflag:s12] =	ssyncadd.s32 $0xFFFFFF00  }
0x1f: {  	v1 =	vld [tilespmem:s29+$0x0]  }
0x20: {  	v3 =	vld [tilespmem:s29+$0x200]  }
0x21: {  	v2 =	vld [tilespmem:s29+$0x100];
	_ =	sdelay $0x1  }
0x22: {  	s30 =	simm.s32 $0x40  }
.LBB2_3:
0x23: {  	s31 =	sshra.s32 s30, $0x2;
	v4 =	vmul.u32 $0x3, v1;
	[tilespmem:s29+$0x500] =	vst v1;
	p0 =	sne.s32 s30, $0x3C0  }
.Ltmp0:
0x24: {  	s30 =	sadd.s32 $0x40, s30;
	v5 =	vmul.u32 $0x6, v1;
	v1 =	vld [tilespmem:s31+$0x0];
	v6 =	vshrl.u32 v3, $0x3;
	(pc) =	sbr.rel @p0 .LBB2_3-.Ltmp0, $4  }
0x25: {  	v3 =	vld [tilespmem:s31+$0x200];
	v7 =	vshrl.u32 v2, $0x3;
	v6 =	vmin.u32 v6, $0x5  }
0x26: {  	v2 =	vld [tilespmem:s31+$0x100];
	v4 =	vadd.s32 v4, v7;
	v5 =	vadd.s32 v5, v6  }
0x27: {  	[tilespmem:s29+$0x400] =	vst v5  }
0x28: {  	[tilespmem:s29+$0x300] =	vst v4;
	s29 =	smov.u32 s31  }
0x29: {  	_ = 	snop  }
0x2a: {  	v4 =	vmul.u32 $0x6, v1;
	v3 =	vshrl.u32 v3, $0x3  }
0x2b: {  	v5 =	vmul.u32 $0x3, v1;
	v3 =	vmin.u32 v3, $0x5  }
0x2c: {  	[tilespmem:s29+$0x500] =	vst v1;
	v1 =	vshrl.u32 v2, $0x3;
	v2 =	vadd.s32 v4, v3  }
0x2d: {  	v1 =	vadd.s32 v5, v1;
	[tilespmem:s29+$0x400] =	vst v2  }
0x2e: {  	[tilespmem:s29+$0x300] =	vst v1;
	s29 =	simm.s32 $0x100  }
0x2f: {  	[tilespmem:s16], [sflag:$0x1] =	stream.indirect.gather [hbm4b:s7+s29], $0x80, s15, s29, $0xb8;
	[tilespmem:$0x1A600] =	vst v63  }
0x30: {  	_ = 	snop  }
0x31: {  	[tilespmem:s18], [sflag:$0x2] =	stream.indirect.gather [hbm4b:s8+s29], $0x80, s17, s29, $0xb8;
	[tilespmem:$0x1A600] =	vst v63  }
0x32: {  	_ = 	snop  }
0x33: {  	[tilespmem:s20], [sflag:$0x3] =	stream.indirect.gather [hbm4b:s9+s29], $0x80, s19, s29, $0xb8;
	[tilespmem:$0x1A600] =	vst v63  }
0x34: {  	_ =	swait.ge [sflag:s21], $0x8000  }
0x35: {  	[sflag:s21] =	ssyncset.done $0x0  }
0x36: {  	[sflag:s21] =	ssyncadd.s32 $0xFFFF8000  }
0x37: {  	_ =	swait.ge [sflag:s22], $0x8000  }
0x38: {  	[sflag:s22] =	ssyncset.done $0x0  }
0x39: {  	[sflag:s22] =	ssyncadd.s32 $0xFFFF8000  }
0x3a: {  	_ =	swait.ge [sflag:s23], $0x8000  }
0x3b: {  	[sflag:s23] =	ssyncset.done $0x0  }
0x3c: {  	[sflag:s23] =	ssyncadd.s32 $0xFFFF8000  }
0x3d: {  	v1 =	vld [tilespmem:s29+$0x0];
	_ =	sdelay $0x1  }
0x3e: {  	s30 =	simm.s32 $0x200  }
0x3f: {  	v5 =	vld [tilespmem:s30+$0x0]  }
0x40: {  	s31 =	simm.s32 $0x0  }
0x41: {  	v2 =	vor.u32 s31, v0;
	v1 =	vshll.u32 v1, $0x4  }
0x42: {  	v6 =	vshll.u32 v2, $0x7;
	v1 =	vand.u32 $0x70, v1  }
0x43: {  	v3 =	vor.u32 v6, v1  }
0x44: {  	v1 =	vadd.s32 $0xFFFFFFD0, v5  }
0x45: {  	vm0 =	vgt.s32 v1, $0x0  }
0x46: {  	v1 =	vnsel vm0, $0x0, v1  }
0x47: {  	v4 =	vshll.u32 v5, $0x4;
	v7 =	vshll.u32 v1, $0x4  }
0x48: {  	v1 =	vand.u32 $0x70, v4;
	v4 =	vshll.u32 v2, $0x5;
	v2 =	vand.u32 $0xFFFFFF80, v7;
	v8 =	vld.idx.msk [tilespmem:v3+s16+$0x0], $0xffff  }
0x49: {  	v1 =	vor.u32 v6, v1;
	v7 =	vand.u32 $0x70, v7;
	v2 =	vadd.s32 v6, v2  }
0x4a: {  	v2 =	vor.u32 v7, v2;
	_ =	sdelay $0x2  }
0x4b: {  	[tilespmem:v4+s24+$0x0] =	vst.idx.msk $0xffff, v8  }
0x4c: {  	v6 =	vld.idx.msk [tilespmem:v1+s18+$0x0], $0xffff  }
0x4d: {  	v7 =	vld.idx.msk [tilespmem:v2+s20+$0x0], $0xffff  }
0x4e: {  	v8 =	vor.u32 $0x10, v4  }
0x4f: {  	v9 =	vor.u32 $0x1, v3;
	_ =	sdelay $0x1  }
0x50: {  	vm0 =	vgt.s32 v5, $0x2F  }
0x51: {  	v5 =	vsel vm0, v7, v6  }
0x52: {  	[tilespmem:v8+s24+$0x0] =	vst.idx.msk $0xffff, v5  }
0x53: {  	v6 =	vor.u32 $0x1, v4;
	v5 =	vld.idx.msk [tilespmem:v9+s16+$0x0], $0xffff  }
0x54: {  	v7 =	vor.u32 $0x1, v1  }
0x55: {  	v8 =	vor.u32 $0x1, v2;
	_ =	sdelay $0x2  }
0x56: {  	[tilespmem:v6+s24+$0x0] =	vst.idx.msk $0xffff, v5  }
0x57: {  	v5 =	vld.idx.msk [tilespmem:v7+s18+$0x0], $0xffff  }
0x58: {  	v6 =	vld.idx.msk [tilespmem:v8+s20+$0x0], $0xffff  }
0x59: {  	v7 =	vor.u32 $0x11, v4  }
0x5a: {  	v8 =	vor.u32 $0x2, v3;
	_ =	sdelay $0x2  }
0x5b: {  	v5 =	vsel vm0, v6, v5  }
0x5c: {  	[tilespmem:v7+s24+$0x0] =	vst.idx.msk $0xffff, v5  }
0x5d: {  	v5 =	vor.u32 $0x2, v4;
	v6 =	vld.idx.msk [tilespmem:v8+s16+$0x0], $0xffff  }
0x5e: {  	v7 =	vor.u32 $0x2, v1  }
0x5f: {  	v8 =	vor.u32 $0x2, v2;
	_ =	sdelay $0x2  }
0x60: {  	[tilespmem:v5+s24+$0x0] =	vst.idx.msk $0xffff, v6  }
0x61: {  	v5 =	vld.idx.msk [tilespmem:v7+s18+$0x0], $0xffff  }
0x62: {  	v6 =	vld.idx.msk [tilespmem:v8+s20+$0x0], $0xffff  }
0x63: {  	v7 =	vor.u32 $0x12, v4  }
0x64: {  	v8 =	vor.u32 $0x3, v3;
	_ =	sdelay $0x2  }
0x65: {  	v5 =	vsel vm0, v6, v5  }
0x66: {  	[tilespmem:v7+s24+$0x0] =	vst.idx.msk $0xffff, v5  }
0x67: {  	v5 =	vor.u32 $0x3, v4;
	v6 =	vld.idx.msk [tilespmem:v8+s16+$0x0], $0xffff  }
0x68: {  	v7 =	vor.u32 $0x3, v1  }
0x69: {  	v8 =	vor.u32 $0x3, v2;
	_ =	sdelay $0x2  }
0x6a: {  	[tilespmem:v5+s24+$0x0] =	vst.idx.msk $0xffff, v6  }
0x6b: {  	v5 =	vld.idx.msk [tilespmem:v7+s18+$0x0], $0xffff  }
0x6c: {  	v6 =	vld.idx.msk [tilespmem:v8+s20+$0x0], $0xffff  }
0x6d: {  	v7 =	vor.u32 $0x13, v4  }
0x6e: {  	v8 =	vor.u32 $0x4, v3;
	_ =	sdelay $0x2  }
0x6f: {  	v5 =	vsel vm0, v6, v5  }
0x70: {  	[tilespmem:v7+s24+$0x0] =	vst.idx.msk $0xffff, v5  }
0x71: {  	v5 =	vor.u32 $0x4, v4;
	v6 =	vld.idx.msk [tilespmem:v8+s16+$0x0], $0xffff  }
0x72: {  	v7 =	vor.u32 $0x4, v1  }
0x73: {  	v8 =	vor.u32 $0x4, v2;
	_ =	sdelay $0x2  }
0x74: {  	[tilespmem:v5+s24+$0x0] =	vst.idx.msk $0xffff, v6  }
0x75: {  	v5 =	vld.idx.msk [tilespmem:v7+s18+$0x0], $0xffff  }
0x76: {  	v6 =	vld.idx.msk [tilespmem:v8+s20+$0x0], $0xffff  }
0x77: {  	v7 =	vor.u32 $0x14, v4  }
0x78: {  	v8 =	vor.u32 $0x5, v3;
	_ =	sdelay $0x2  }
0x79: {  	v5 =	vsel vm0, v6, v5  }
0x7a: {  	[tilespmem:v7+s24+$0x0] =	vst.idx.msk $0xffff, v5  }
0x7b: {  	v5 =	vor.u32 $0x5, v4;
	v6 =	vld.idx.msk [tilespmem:v8+s16+$0x0], $0xffff  }
0x7c: {  	v7 =	vor.u32 $0x5, v1  }
0x7d: {  	v8 =	vor.u32 $0x5, v2;
	_ =	sdelay $0x2  }
0x7e: {  	[tilespmem:v5+s24+$0x0] =	vst.idx.msk $0xffff, v6  }
0x7f: {  	v5 =	vld.idx.msk [tilespmem:v7+s18+$0x0], $0xffff  }
0x80: {  	v6 =	vld.idx.msk [tilespmem:v8+s20+$0x0], $0xffff  }
0x81: {  	v7 =	vor.u32 $0x15, v4  }
0x82: {  	v8 =	vor.u32 $0x6, v3;
	_ =	sdelay $0x2  }
0x83: {  	v5 =	vsel vm0, v6, v5  }
0x84: {  	[tilespmem:v7+s24+$0x0] =	vst.idx.msk $0xffff, v5  }
0x85: {  	v5 =	vor.u32 $0x6, v4;
	v6 =	vld.idx.msk [tilespmem:v8+s16+$0x0], $0xffff  }
0x86: {  	v7 =	vor.u32 $0x6, v1  }
0x87: {  	v8 =	vor.u32 $0x6, v2;
	_ =	sdelay $0x2  }
0x88: {  	[tilespmem:v5+s24+$0x0] =	vst.idx.msk $0xffff, v6  }
0x89: {  	v5 =	vld.idx.msk [tilespmem:v7+s18+$0x0], $0xffff  }
0x8a: {  	v6 =	vld.idx.msk [tilespmem:v8+s20+$0x0], $0xffff  }
0x8b: {  	v7 =	vor.u32 $0x16, v4  }
0x8c: {  	v8 =	vor.u32 $0x7, v3;
	_ =	sdelay $0x2  }
0x8d: {  	v5 =	vsel vm0, v6, v5  }
0x8e: {  	[tilespmem:v7+s24+$0x0] =	vst.idx.msk $0xffff, v5  }
0x8f: {  	v5 =	vor.u32 $0x7, v4;
	v6 =	vld.idx.msk [tilespmem:v8+s16+$0x0], $0xffff  }
0x90: {  	v7 =	vor.u32 $0x7, v1  }
0x91: {  	v8 =	vor.u32 $0x7, v2;
	_ =	sdelay $0x2  }
0x92: {  	[tilespmem:v5+s24+$0x0] =	vst.idx.msk $0xffff, v6  }
0x93: {  	v5 =	vld.idx.msk [tilespmem:v7+s18+$0x0], $0xffff  }
0x94: {  	v6 =	vld.idx.msk [tilespmem:v8+s20+$0x0], $0xffff  }
0x95: {  	v7 =	vor.u32 $0x17, v4  }
0x96: {  	v8 =	vor.u32 $0x8, v3;
	_ =	sdelay $0x2  }
0x97: {  	v5 =	vsel vm0, v6, v5  }
0x98: {  	[tilespmem:v7+s24+$0x0] =	vst.idx.msk $0xffff, v5  }
0x99: {  	v5 =	vor.u32 $0x8, v4;
	v6 =	vld.idx.msk [tilespmem:v8+s16+$0x0], $0xffff  }
0x9a: {  	v7 =	vor.u32 $0x8, v1  }
0x9b: {  	v8 =	vor.u32 $0x8, v2;
	_ =	sdelay $0x2  }
0x9c: {  	[tilespmem:v5+s24+$0x0] =	vst.idx.msk $0xffff, v6  }
0x9d: {  	v5 =	vld.idx.msk [tilespmem:v7+s18+$0x0], $0xffff  }
0x9e: {  	v6 =	vld.idx.msk [tilespmem:v8+s20+$0x0], $0xffff  }
0x9f: {  	v7 =	vor.u32 $0x18, v4  }
0xa0: {  	v8 =	vor.u32 $0x9, v3;
	_ =	sdelay $0x2  }
0xa1: {  	v5 =	vsel vm0, v6, v5  }
0xa2: {  	[tilespmem:v7+s24+$0x0] =	vst.idx.msk $0xffff, v5  }
0xa3: {  	v5 =	vor.u32 $0x9, v4;
	v6 =	vld.idx.msk [tilespmem:v8+s16+$0x0], $0xffff  }
0xa4: {  	v7 =	vor.u32 $0x9, v1  }
0xa5: {  	v8 =	vor.u32 $0x9, v2;
	_ =	sdelay $0x2  }
0xa6: {  	[tilespmem:v5+s24+$0x0] =	vst.idx.msk $0xffff, v6  }
0xa7: {  	v5 =	vld.idx.msk [tilespmem:v7+s18+$0x0], $0xffff  }
0xa8: {  	v6 =	vld.idx.msk [tilespmem:v8+s20+$0x0], $0xffff  }
0xa9: {  	v7 =	vor.u32 $0x19, v4  }
0xaa: {  	v8 =	vor.u32 $0xA, v3;
	_ =	sdelay $0x2  }
0xab: {  	v5 =	vsel vm0, v6, v5  }
0xac: {  	[tilespmem:v7+s24+$0x0] =	vst.idx.msk $0xffff, v5  }
0xad: {  	v5 =	vor.u32 $0xA, v4;
	v6 =	vld.idx.msk [tilespmem:v8+s16+$0x0], $0xffff  }
0xae: {  	v7 =	vor.u32 $0xA, v1  }
0xaf: {  	v8 =	vor.u32 $0xA, v2;
	_ =	sdelay $0x2  }
0xb0: {  	[tilespmem:v5+s24+$0x0] =	vst.idx.msk $0xffff, v6  }
0xb1: {  	v5 =	vld.idx.msk [tilespmem:v7+s18+$0x0], $0xffff  }
0xb2: {  	v6 =	vld.idx.msk [tilespmem:v8+s20+$0x0], $0xffff  }
0xb3: {  	v7 =	vor.u32 $0x1A, v4  }
0xb4: {  	v8 =	vor.u32 $0xB, v3;
	_ =	sdelay $0x2  }
0xb5: {  	v5 =	vsel vm0, v6, v5  }
0xb6: {  	[tilespmem:v7+s24+$0x0] =	vst.idx.msk $0xffff, v5  }
0xb7: {  	v5 =	vor.u32 $0xB, v4;
	v6 =	vld.idx.msk [tilespmem:v8+s16+$0x0], $0xffff  }
0xb8: {  	v7 =	vor.u32 $0xB, v1  }
0xb9: {  	v8 =	vor.u32 $0xB, v2;
	_ =	sdelay $0x2  }
0xba: {  	[tilespmem:v5+s24+$0x0] =	vst.idx.msk $0xffff, v6  }
0xbb: {  	v5 =	vld.idx.msk [tilespmem:v7+s18+$0x0], $0xffff  }
0xbc: {  	v6 =	vld.idx.msk [tilespmem:v8+s20+$0x0], $0xffff  }
0xbd: {  	v7 =	vor.u32 $0x1B, v4  }
0xbe: {  	v8 =	vor.u32 $0xC, v3;
	_ =	sdelay $0x2  }
0xbf: {  	v5 =	vsel vm0, v6, v5  }
0xc0: {  	[tilespmem:v7+s24+$0x0] =	vst.idx.msk $0xffff, v5  }
0xc1: {  	v5 =	vor.u32 $0xC, v4;
	v6 =	vld.idx.msk [tilespmem:v8+s16+$0x0], $0xffff  }
0xc2: {  	v7 =	vor.u32 $0xC, v1  }
0xc3: {  	v8 =	vor.u32 $0xC, v2;
	_ =	sdelay $0x2  }
0xc4: {  	[tilespmem:v5+s24+$0x0] =	vst.idx.msk $0xffff, v6  }
0xc5: {  	v5 =	vld.idx.msk [tilespmem:v7+s18+$0x0], $0xffff  }
0xc6: {  	v6 =	vld.idx.msk [tilespmem:v8+s20+$0x0], $0xffff  }
0xc7: {  	v7 =	vor.u32 $0x1C, v4  }
0xc8: {  	v8 =	vor.u32 $0xD, v3;
	_ =	sdelay $0x2  }
0xc9: {  	v5 =	vsel vm0, v6, v5  }
0xca: {  	[tilespmem:v7+s24+$0x0] =	vst.idx.msk $0xffff, v5  }
0xcb: {  	v5 =	vor.u32 $0xD, v4;
	v6 =	vld.idx.msk [tilespmem:v8+s16+$0x0], $0xffff  }
0xcc: {  	v7 =	vor.u32 $0xD, v1  }
0xcd: {  	v8 =	vor.u32 $0xD, v2;
	_ =	sdelay $0x2  }
0xce: {  	[tilespmem:v5+s24+$0x0] =	vst.idx.msk $0xffff, v6  }
0xcf: {  	v5 =	vld.idx.msk [tilespmem:v7+s18+$0x0], $0xffff  }
0xd0: {  	v6 =	vld.idx.msk [tilespmem:v8+s20+$0x0], $0xffff  }
0xd1: {  	v7 =	vor.u32 $0x1D, v4  }
0xd2: {  	v8 =	vor.u32 $0xE, v3;
	_ =	sdelay $0x2  }
0xd3: {  	v5 =	vsel vm0, v6, v5  }
0xd4: {  	[tilespmem:v7+s24+$0x0] =	vst.idx.msk $0xffff, v5  }
0xd5: {  	v5 =	vor.u32 $0xE, v4;
	v6 =	vld.idx.msk [tilespmem:v8+s16+$0x0], $0xffff  }
0xd6: {  	v7 =	vor.u32 $0xE, v1  }
0xd7: {  	v8 =	vor.u32 $0xE, v2;
	_ =	sdelay $0x2  }
0xd8: {  	[tilespmem:v5+s24+$0x0] =	vst.idx.msk $0xffff, v6  }
0xd9: {  	v63 =	vld.idx.msk [tilespmem:v7+s18+$0x0], $0xffff  }
0xda: {  	v8 =	vld.idx.msk [tilespmem:v8+s20+$0x0], $0xffff  }
0xdb: {  	v7 =	vor.u32 $0x1E, v4  }
0xdc: {  	v5 =	vor.u32 $0xF, v3;
	_ =	sdelay $0x2  }
0xdd: {  	s31 =	simm.s32 $0x10;
	v6 =	vor.u32 $0xF, v4;
	v3 =	vor.u32 $0x1F, v4;
	v4 =	vsel vm0, v8, v63  }
.LBB2_5:
0xde: {  	p0 =	sne.s32 s31, $0xF0;
	[tilespmem:v7+s24+$0x0] =	vst.idx.msk $0xffff, v4;
	s30 =	sadd.s32 $0x10, s30;
	s29 =	sadd.s32 $0x10, s29  }
0xdf: {  	s0 =	smov.u32 s31;
	s31 =	sadd.s32 $0x10, s31;
	v4 =	vld.idx.msk [tilespmem:v5+s16+$0x0], $0xffff;
	_ =	sdelay $0x1  }
0xe0: {  	v1 =	vor.u32 $0xF, v1;
	v2 =	vor.u32 $0xF, v2;
	_ =	sdelay $0x3  }
0xe1: {  	[tilespmem:v6+s24+$0x0] =	vst.idx.msk $0xffff, v4  }
0xe2: {  	v1 =	vld.idx.msk [tilespmem:v1+s18+$0x0], $0xffff  }
0xe3: {  	v2 =	vld.idx.msk [tilespmem:v2+s20+$0x0], $0xffff;
	_ =	sdelay $0x5  }
0xe4: {  	v1 =	vsel vm0, v2, v1  }
0xe5: {  	[tilespmem:v3+s24+$0x0] =	vst.idx.msk $0xffff, v1  }
0xe6: {  	v1 =	vld [tilespmem:s29+$0x0];
	_ =	sdelay $0x3  }
0xe7: {  	v5 =	vld [tilespmem:s30+$0x0]  }
0xe8: {  	v2 =	vor.u32 s0, v0;
	v1 =	vshll.u32 v1, $0x4  }
0xe9: {  	v6 =	vshll.u32 v2, $0x7;
	v1 =	vand.u32 $0x70, v1  }
0xea: {  	v4 =	vor.u32 v6, v1;
	_ =	sdelay $0x1  }
0xeb: {  	v1 =	vshll.u32 v5, $0x4;
	v3 =	vadd.s32 $0xFFFFFFD0, v5  }
0xec: {  	v1 =	vand.u32 $0x70, v1;
	vm0 =	vgt.s32 v3, $0x0  }
0xed: {  	v3 =	vnsel vm0, $0x0, v3  }
0xee: {  	v7 =	vshll.u32 v3, $0x4;
	v8 =	vld.idx.msk [tilespmem:v4+s16+$0x0], $0xffff  }
0xef: {  	v3 =	vshll.u32 v2, $0x5;
	v2 =	vand.u32 $0xFFFFFF80, v7  }
0xf0: {  	v1 =	vor.u32 v6, v1;
	v7 =	vand.u32 $0x70, v7;
	v2 =	vadd.s32 v6, v2  }
0xf1: {  	v2 =	vor.u32 v7, v2;
	_ =	sdelay $0x2  }
0xf2: {  	[tilespmem:v3+s24+$0x0] =	vst.idx.msk $0xffff, v8  }
0xf3: {  	v6 =	vld.idx.msk [tilespmem:v1+s18+$0x0], $0xffff  }
0xf4: {  	v7 =	vld.idx.msk [tilespmem:v2+s20+$0x0], $0xffff  }
0xf5: {  	v8 =	vor.u32 $0x10, v3  }
0xf6: {  	v9 =	vor.u32 $0x1, v4;
	_ =	sdelay $0x1  }
0xf7: {  	vm0 =	vgt.s32 v5, $0x2F;
	_ =	sdelay $0x1  }
0xf8: {  	v5 =	vsel vm0, v7, v6  }
0xf9: {  	[tilespmem:v8+s24+$0x0] =	vst.idx.msk $0xffff, v5  }
0xfa: {  	v6 =	vor.u32 $0x1, v3;
	v5 =	vld.idx.msk [tilespmem:v9+s16+$0x0], $0xffff;
	_ =	sdelay $0x1  }
0xfb: {  	v7 =	vor.u32 $0x1, v1;
	v8 =	vor.u32 $0x1, v2;
	_ =	sdelay $0x3  }
0xfc: {  	[tilespmem:v6+s24+$0x0] =	vst.idx.msk $0xffff, v5  }
0xfd: {  	v5 =	vld.idx.msk [tilespmem:v7+s18+$0x0], $0xffff  }
0xfe: {  	v7 =	vor.u32 $0x11, v3;
	v6 =	vld.idx.msk [tilespmem:v8+s20+$0x0], $0xffff  }
0xff: {  	v8 =	vor.u32 $0x2, v4;
	_ =	sdelay $0x4  }
0x100: {  	v5 =	vsel vm0, v6, v5  }
0x101: {  	[tilespmem:v7+s24+$0x0] =	vst.idx.msk $0xffff, v5;
	v5 =	vor.u32 $0x2, v3  }
0x102: {  	v6 =	vld.idx.msk [tilespmem:v8+s16+$0x0], $0xffff;
	_ =	sdelay $0x1  }
0x103: {  	v7 =	vor.u32 $0x2, v1;
	v8 =	vor.u32 $0x2, v2;
	_ =	sdelay $0x3  }
0x104: {  	[tilespmem:v5+s24+$0x0] =	vst.idx.msk $0xffff, v6  }
0x105: {  	v6 =	vor.u32 $0x12, v3;
	v5 =	vld.idx.msk [tilespmem:v7+s18+$0x0], $0xffff  }
0x106: {  	v7 =	vld.idx.msk [tilespmem:v8+s20+$0x0], $0xffff;
	v8 =	vor.u32 $0x3, v4;
	_ =	sdelay $0x5  }
0x107: {  	v5 =	vsel vm0, v7, v5;
	v7 =	vor.u32 $0x3, v3  }
0x108: {  	[tilespmem:v6+s24+$0x0] =	vst.idx.msk $0xffff, v5  }
0x109: {  	v5 =	vld.idx.msk [tilespmem:v8+s16+$0x0], $0xffff;
	_ =	sdelay $0x1  }
0x10a: {  	v6 =	vor.u32 $0x3, v1;
	v8 =	vor.u32 $0x3, v2;
	_ =	sdelay $0x3  }
0x10b: {  	[tilespmem:v7+s24+$0x0] =	vst.idx.msk $0xffff, v5;
	v5 =	vor.u32 $0x13, v3  }
0x10c: {  	v7 =	vor.u32 $0x4, v4;
	v6 =	vld.idx.msk [tilespmem:v6+s18+$0x0], $0xffff  }
0x10d: {  	v8 =	vld.idx.msk [tilespmem:v8+s20+$0x0], $0xffff;
	_ =	sdelay $0x4  }
0x10e: {  	v9 =	vor.u32 $0x4, v3  }
0x10f: {  	v6 =	vsel vm0, v8, v6  }
0x110: {  	[tilespmem:v5+s24+$0x0] =	vst.idx.msk $0xffff, v6  }
0x111: {  	v5 =	vld.idx.msk [tilespmem:v7+s16+$0x0], $0xffff;
	_ =	sdelay $0x1  }
0x112: {  	v6 =	vor.u32 $0x4, v1;
	v7 =	vor.u32 $0x4, v2;
	_ =	sdelay $0x2  }
0x113: {  	v8 =	vor.u32 $0x14, v3  }
0x114: {  	[tilespmem:v9+s24+$0x0] =	vst.idx.msk $0xffff, v5;
	v5 =	vor.u32 $0x5, v4  }
0x115: {  	v6 =	vld.idx.msk [tilespmem:v6+s18+$0x0], $0xffff  }
0x116: {  	v7 =	vld.idx.msk [tilespmem:v7+s20+$0x0], $0xffff;
	_ =	sdelay $0x3  }
0x117: {  	v9 =	vor.u32 $0x5, v3;
	_ =	sdelay $0x1  }
0x118: {  	v6 =	vsel vm0, v7, v6  }
0x119: {  	[tilespmem:v8+s24+$0x0] =	vst.idx.msk $0xffff, v6  }
0x11a: {  	v5 =	vld.idx.msk [tilespmem:v5+s16+$0x0], $0xffff;
	_ =	sdelay $0x1  }
0x11b: {  	v7 =	vor.u32 $0x5, v2;
	v6 =	vor.u32 $0x5, v1;
	_ =	sdelay $0x1  }
0x11c: {  	v8 =	vor.u32 $0x15, v3  }
0x11d: {  	v10 =	vor.u32 $0x6, v4  }
0x11e: {  	[tilespmem:v9+s24+$0x0] =	vst.idx.msk $0xffff, v5  }
0x11f: {  	v5 =	vld.idx.msk [tilespmem:v6+s18+$0x0], $0xffff  }
0x120: {  	v6 =	vld.idx.msk [tilespmem:v7+s20+$0x0], $0xffff;
	_ =	sdelay $0x2  }
0x121: {  	v7 =	vor.u32 $0x6, v3;
	_ =	sdelay $0x2  }
0x122: {  	v5 =	vsel vm0, v6, v5  }
0x123: {  	[tilespmem:v8+s24+$0x0] =	vst.idx.msk $0xffff, v5  }
0x124: {  	v5 =	vld.idx.msk [tilespmem:v10+s16+$0x0], $0xffff;
	_ =	sdelay $0x1  }
0x125: {  	v6 =	vor.u32 $0x6, v1;
	v8 =	vor.u32 $0x6, v2  }
0x126: {  	v9 =	vor.u32 $0x16, v3  }
0x127: {  	v10 =	vor.u32 $0x7, v4;
	_ =	sdelay $0x1  }
0x128: {  	[tilespmem:v7+s24+$0x0] =	vst.idx.msk $0xffff, v5  }
0x129: {  	v5 =	vld.idx.msk [tilespmem:v6+s18+$0x0], $0xffff  }
0x12a: {  	v6 =	vld.idx.msk [tilespmem:v8+s20+$0x0], $0xffff;
	_ =	sdelay $0x1  }
0x12b: {  	v7 =	vor.u32 $0x7, v3;
	_ =	sdelay $0x3  }
0x12c: {  	v5 =	vsel vm0, v6, v5  }
0x12d: {  	[tilespmem:v9+s24+$0x0] =	vst.idx.msk $0xffff, v5  }
0x12e: {  	v5 =	vld.idx.msk [tilespmem:v10+s16+$0x0], $0xffff;
	_ =	sdelay $0x1  }
0x12f: {  	v8 =	vor.u32 $0x7, v2;
	v6 =	vor.u32 $0x7, v1;
	v9 =	vor.u32 $0x17, v3  }
0x130: {  	v10 =	vor.u32 $0x8, v4;
	_ =	sdelay $0x2  }
0x131: {  	[tilespmem:v7+s24+$0x0] =	vst.idx.msk $0xffff, v5  }
0x132: {  	v5 =	vld.idx.msk [tilespmem:v6+s18+$0x0], $0xffff  }
0x133: {  	v6 =	vld.idx.msk [tilespmem:v8+s20+$0x0], $0xffff  }
0x134: {  	v7 =	vor.u32 $0x8, v3;
	_ =	sdelay $0x4  }
0x135: {  	v5 =	vsel vm0, v6, v5  }
0x136: {  	[tilespmem:v9+s24+$0x0] =	vst.idx.msk $0xffff, v5  }
0x137: {  	v5 =	vld.idx.msk [tilespmem:v10+s16+$0x0], $0xffff  }
0x138: {  	v6 =	vor.u32 $0x18, v3  }
0x139: {  	v8 =	vor.u32 $0x8, v1;
	v9 =	vor.u32 $0x8, v2;
	v10 =	vor.u32 $0x9, v4;
	_ =	sdelay $0x3  }
0x13a: {  	[tilespmem:v7+s24+$0x0] =	vst.idx.msk $0xffff, v5  }
0x13b: {  	v5 =	vld.idx.msk [tilespmem:v8+s18+$0x0], $0xffff  }
0x13c: {  	v8 =	vor.u32 $0x9, v3;
	v7 =	vld.idx.msk [tilespmem:v9+s20+$0x0], $0xffff;
	_ =	sdelay $0x5  }
0x13d: {  	v5 =	vsel vm0, v7, v5  }
0x13e: {  	[tilespmem:v6+s24+$0x0] =	vst.idx.msk $0xffff, v5  }
0x13f: {  	v6 =	vor.u32 $0x19, v3;
	v5 =	vld.idx.msk [tilespmem:v10+s16+$0x0], $0xffff  }
0x140: {  	v7 =	vor.u32 $0xA, v4  }
0x141: {  	v9 =	vor.u32 $0x9, v1;
	v10 =	vor.u32 $0x9, v2;
	_ =	sdelay $0x3  }
0x142: {  	[tilespmem:v8+s24+$0x0] =	vst.idx.msk $0xffff, v5  }
0x143: {  	v8 =	vor.u32 $0xA, v3;
	v5 =	vld.idx.msk [tilespmem:v9+s18+$0x0], $0xffff  }
0x144: {  	v9 =	vld.idx.msk [tilespmem:v10+s20+$0x0], $0xffff;
	_ =	sdelay $0x5  }
0x145: {  	v5 =	vsel vm0, v9, v5  }
0x146: {  	[tilespmem:v6+s24+$0x0] =	vst.idx.msk $0xffff, v5;
	v5 =	vor.u32 $0x1A, v3  }
0x147: {  	v6 =	vld.idx.msk [tilespmem:v7+s16+$0x0], $0xffff;
	v7 =	vor.u32 $0xB, v4;
	_ =	sdelay $0x1  }
0x148: {  	v10 =	vor.u32 $0xA, v2;
	v9 =	vor.u32 $0xA, v1;
	_ =	sdelay $0x3  }
0x149: {  	[tilespmem:v8+s24+$0x0] =	vst.idx.msk $0xffff, v6;
	v6 =	vor.u32 $0xB, v3  }
0x14a: {  	v8 =	vld.idx.msk [tilespmem:v9+s18+$0x0], $0xffff  }
0x14b: {  	v9 =	vld.idx.msk [tilespmem:v10+s20+$0x0], $0xffff;
	_ =	sdelay $0x5  }
0x14c: {  	v8 =	vsel vm0, v9, v8;
	v9 =	vor.u32 $0x1B, v3  }
0x14d: {  	[tilespmem:v5+s24+$0x0] =	vst.idx.msk $0xffff, v8;
	v5 =	vor.u32 $0xC, v4  }
0x14e: {  	v7 =	vld.idx.msk [tilespmem:v7+s16+$0x0], $0xffff;
	_ =	sdelay $0x1  }
0x14f: {  	v10 =	vor.u32 $0xB, v2;
	v8 =	vor.u32 $0xB, v1;
	_ =	sdelay $0x2  }
0x150: {  	v11 =	vor.u32 $0xC, v3  }
0x151: {  	[tilespmem:v6+s24+$0x0] =	vst.idx.msk $0xffff, v7  }
0x152: {  	v6 =	vld.idx.msk [tilespmem:v8+s18+$0x0], $0xffff  }
0x153: {  	v7 =	vld.idx.msk [tilespmem:v10+s20+$0x0], $0xffff;
	_ =	sdelay $0x4  }
0x154: {  	v8 =	vor.u32 $0x1C, v3  }
0x155: {  	v6 =	vsel vm0, v7, v6;
	v7 =	vor.u32 $0xD, v4  }
0x156: {  	[tilespmem:v9+s24+$0x0] =	vst.idx.msk $0xffff, v6  }
0x157: {  	v5 =	vld.idx.msk [tilespmem:v5+s16+$0x0], $0xffff;
	_ =	sdelay $0x1  }
0x158: {  	v6 =	vor.u32 $0xC, v1;
	v9 =	vor.u32 $0xC, v2;
	_ =	sdelay $0x1  }
0x159: {  	v10 =	vor.u32 $0xD, v3;
	_ =	sdelay $0x1  }
0x15a: {  	[tilespmem:v11+s24+$0x0] =	vst.idx.msk $0xffff, v5  }
0x15b: {  	v5 =	vld.idx.msk [tilespmem:v6+s18+$0x0], $0xffff  }
0x15c: {  	v6 =	vld.idx.msk [tilespmem:v9+s20+$0x0], $0xffff;
	_ =	sdelay $0x3  }
0x15d: {  	v9 =	vor.u32 $0x1D, v3  }
0x15e: {  	v11 =	vor.u32 $0xE, v4  }
0x15f: {  	v5 =	vsel vm0, v6, v5  }
0x160: {  	[tilespmem:v8+s24+$0x0] =	vst.idx.msk $0xffff, v5  }
0x161: {  	v5 =	vld.idx.msk [tilespmem:v7+s16+$0x0], $0xffff;
	_ =	sdelay $0x1  }
0x162: {  	v6 =	vor.u32 $0xD, v1;
	v7 =	vor.u32 $0xD, v2  }
0x163: {  	v8 =	vor.u32 $0xE, v3;
	_ =	sdelay $0x2  }
0x164: {  	[tilespmem:v10+s24+$0x0] =	vst.idx.msk $0xffff, v5  }
0x165: {  	v6 =	vld.idx.msk [tilespmem:v6+s18+$0x0], $0xffff  }
0x166: {  	v10 =	vld.idx.msk [tilespmem:v7+s20+$0x0], $0xffff;
	_ =	sdelay $0x2  }
0x167: {  	v7 =	vor.u32 $0x1E, v3  }
0x168: {  	v5 =	vor.u32 $0xF, v4;
	_ =	sdelay $0x1  }
0x169: {  	v4 =	vsel vm0, v10, v6  }
0x16a: {  	[tilespmem:v9+s24+$0x0] =	vst.idx.msk $0xffff, v4  }
0x16b: {  	v4 =	vld.idx.msk [tilespmem:v11+s16+$0x0], $0xffff;
	_ =	sdelay $0x1  }
0x16c: {  	v10 =	vor.u32 $0xE, v2;
	v6 =	vor.u32 $0xF, v3;
	v9 =	vor.u32 $0xE, v1;
	_ =	sdelay $0x3  }
0x16d: {  	[tilespmem:v8+s24+$0x0] =	vst.idx.msk $0xffff, v4  }
0x16e: {  	v4 =	vld.idx.msk [tilespmem:v9+s18+$0x0], $0xffff  }
0x16f: {  	v8 =	vld.idx.msk [tilespmem:v10+s20+$0x0], $0xffff;
	_ =	sdelay $0x1  }
.Ltmp1:
0x170: {  	v3 =	vor.u32 $0x1F, v3;
	(pc) =	sbr.rel @p0 .LBB2_5-.Ltmp1, $2  }
0x171: {  	_ =	sdelay $0x2  }
0x172: {  	v4 =	vsel vm0, v8, v4  }
0x173: {  	_ =	sdelay $0x3  }
0x174: {  	[tilespmem:v7+s24+$0x0] =	vst.idx.msk $0xffff, v4  }
0x175: {  	v4 =	vld.idx.msk [tilespmem:v5+s16+$0x0], $0xffff  }
0x176: {  	v1 =	vor.u32 $0xF, v1  }
0x177: {  	v2 =	vor.u32 $0xF, v2;
	_ =	sdelay $0x2  }
0x178: {  	[tilespmem:v6+s24+$0x0] =	vst.idx.msk $0xffff, v4  }
0x179: {  	v1 =	vld.idx.msk [tilespmem:v1+s18+$0x0], $0xffff  }
0x17a: {  	v2 =	vld.idx.msk [tilespmem:v2+s20+$0x0], $0xffff;
	_ =	sdelay $0x3  }
0x17b: {  	s26 =	sadd.s32 $0x1, s26  }
0x17c: {  	s0 =	sshll.u32 s28, $0x2;
	p0 =	sne.s32 s26, $0x19;
	v1 =	vsel vm0, v2, v1  }
.Ltmp2:
0x17d: {  	s0 =	sadd.s32 s1, s0;
	[tilespmem:v3+s24+$0x0] =	vst.idx.msk $0xffff, v1;
	(pc) =	sbr.rel @p0 .LBB2_2-.Ltmp2, $4  }
0x17e: {  	[hbm4b:s0+s2] =	stream.linear.scatter [tilespmem:s24], [sflag:$0x4], $0x2000, $0x38;
	[tilespmem:$0x1A600] =	vst v63  }
0x17f: {  	_ =	swait.ge [sflag:s12], $0x2000  }
0x180: {  	[sflag:s12] =	ssyncset.done $0x0  }
0x181: {  	[sflag:s12] =	ssyncadd.s32 $0xFFFFE000  }
0x182: {  	s25 =	sadd.s32 $0x1, s25  }
0x183: {  	p0 =	sne.s32 s25, s11  }
.Ltmp3:
0x184: {  	_ = 	snop;
	(pc) =	sbr.rel @p0 .LBB2_1-.Ltmp3, $1  }
0x185: {  	_ =	sdelay $0x3  }
0x186: {  	_ =	sfence.sel $0x180000  }
0x187: {  	[bflag:$0x0] =	sbarrier.arrive $0xFFFF  }
0x188: {  	_ =	strace $0x9000004A  }
0x189: {  	[bflag:$0x2] =	sbarrier.arrive $0xFFFF  }
0x18a: {  	p0 =	sne.s32 s3, $0x0;
	s0 =	rddreg [dreg:$0x2]  }
0x18b: {  	s0 =	sadd.s32 @!p0 $0x100000, s0  }
0x18c: {  	[sflag:s0] =	ssyncadd.tile.s32 @!p0 $0x1;
	_ =	shalt  }
.Lfunc_end2:
_tile_overlayer_lowered:
.L_overlay_start_2:
0x18d: {  	(tag) =	ssettag $0x2  }
0x18e: {  	s0 =	rddreg [dreg:$0x0];
	s2 =	stileid.u32  }
0x18f: {  	s1 =	rddreg [dreg:$0x1];
	p0 =	sne.s32 s2, $0x0  }
0x190: {  	s3 =	rddreg [dreg:$0x2];
	[bflag:$0x3] =	sbarrier.arrive $0xFFFF;
	s2 =	simm.s32 @!p0 $0x1C04  }
0x191: {  	[timem:s3], [sflag:s2] =	dma.local @!p0 [hbm:s0], s1  }
0x192: {  	s0 =	simm.s32 @!p0 $0x4  }
0x193: {  	_ =	swait.ge @!p0 [sflag:s0], s1  }
0x194: {  	s1 =	ssub.s32 @!p0 $0x0, s1;
	[sflag:s0] =	ssyncset.done @!p0 $0x0  }
0x195: {  	[sflag:s0] =	ssyncadd.s32 @!p0 s1  }
0x196: {  	[bflag:$0x3] =	sbarrier.arrive $0xFFFF  }
0x197: {  	_ =	shalt  }

// kernel: sparse-core-data-format-call.cloned.1.call-start
scs
called_computation_lowered:
.L_overlay_start_0:
0x0: {  	s1 =	sld [smem:$0x3FD9]  }
0x1: {  	s2 =	sld [smem:$0x3FFE];
	_ =	sdelay $0x1  }
0x2: {  	s3 =	srdreg.scid  }
0x3: {  	s0 =	sand.u32 $0x1, s3  }
0x4: {  	s17 =	sshll.u32 s0, $0xA;
	s1 =	sadd.s32 s2, s1  }
0x5: {  	s1 =	sadd.s32 s1, s17  }
0x6: {  	[smem:$0x3FC3] =	sst s1  }
0x7: {  	_ = 	snop  }
0x8: {  	(tm) =	ssettm $0x1  }
0x9: {  	s18 =	sld [smem:$0x3FFB];
	_ =	sdelay $0x3  }
0xa: {  	_ =	strace s18  }
0xb: {  	s1 =	sld [smem:$0x3FFC];
	_ =	sdelay $0x3  }
0xc: {  	_ =	strace s1  }
0xd: {  	s1 =	sld [smem:$0x3FFD];
	_ =	sdelay $0x3  }
0xe: {  	_ =	strace s1  }
0xf: {  	_ =	strace $0x8FFFFFFF  }
0x10: {  	s19 =	sld [smem:$0x3FDB];
	_ =	sdelay $0x1  }
0x11: {  	s20 =	simm.s32 $_scs_section_size  }
0x12: {  	s4 =	simm.s32 $_size__tile_overlayer_lowered;
	s5 =	simm.s32 $_tile_overlayer_lowered  }
0x13: {  	s23 =	simm.s32 $0x1BFF;
	s22 =	sshll.u32 s5, $0x1;
	s1 =	sadd.s32 s20, s19  }
0x14: {  	s6 =	simm.s32 $0x0;
	s21 =	sshll.u32 s4, $0x1;
	s4 =	sadd.s32 s22, s1  }
0x15: {  	[timem:s6], [sflag:s23] =	dma.local [hbm:s4], s21  }
0x16: {  	_ =	swait.ge [sflag:s23], s21  }
0x17: {  	s2 =	ssub.s32 $0x0, s21;
	[sflag:s23] =	ssyncset.done $0x0  }
0x18: {  	[sflag:s23] =	ssyncadd.s32 s2;
	_ =	sdelay $0x1  }
0x19: {  	s24 =	simm.s32 $0x1B8B  }
0x1a: {  	_ =	swait.ge [sflag:s24], $0x1  }
0x1b: {  	[sflag:s24] =	ssyncset.done $0x0  }
0x1c: {  	s26 =	simm.s32 $0x1B8E;
	s25 =	sld [smem:$0x3FFE];
	[sflag:s24] =	ssyncadd.s32 $0xFFFFFFFF  }
0x1d: {  	s27 =	simm.s32 $execute0_lowered;
	[smem:$0x3FD2] =	sst s26  }
0x1e: {  	s4 =	sshll.u32 s27, $0x1;
	_ =	strace $0x80000046;
	[dreg:$0x1] =	wrdreg $0xFFFFFFFF  }
0x1f: {  	s28 =	simm.s32 $_size_execute0_lowered;
	s1 =	sadd.s32 s1, s4;
	[dreg:$0x0] =	wrdreg $0x0  }
0x20: {  	s4 =	sshll.u32 s28, $0x1;
	[dreg:$0x2] =	wrdreg s1  }
0x21: {  	[dreg:$0x3] =	wrdreg s4  }
0x22: {  	[dreg:$0x4] =	wrdreg $0xC0  }
0x23: {  	_ =	task [dreg:s6], $0x5FFFF  }
0x24: {  	[dreg:$0x1] =	wrdreg $0xFFFFFFFF  }
0x25: {  	[dreg:$0x0] =	wrdreg $0x60  }
0x26: {  	[dreg:$0x2] =	wrdreg s25  }
0x27: {  	[dreg:$0x3] =	wrdreg $0x9  }
0x28: {  	_ =	task.clear_ibuf [dreg:s6], $0x4FFFF;
	_ =	strace $0x90000046  }
0x29: {  	s29 =	simm.s32 $0x9;
	_ =	strace $0x80000048  }
0x2a: {  	_ =	swait.ge [sflag:s29], $0x1  }
0x2b: {  	[sflag:s29] =	ssyncadd.s32 $0xFFFFFFFF  }
0x2c: {  	_ =	strace $0x90000048  }
0x2d: {  	_ =	sfence  }
0x2e: {  	s30 =	sld [smem:$0x0];
	_ =	sdelay $0x2  }
0x2f: {  	s31 =	sshll.u32 s3, $0xD;
	s3 =	sshrl.u32 s3, $0x2  }
0x30: {  	s2 =	sand.u32 $0x4000, s31;
	s1 =	sadd.s32 s3, s30  }
0x31: {  	s0 =	sor.u32 s2, s0;
	s1 =	sshll.u32 s1, $0x11  }
0x32: {  	s0 =	sor.u32 s1, s0  }
0x33: {  	s0 =	sadd.s32 $0x8F2B, s0  }
0x34: {  	[sflag:s0] =	ssyncadd.remote.s32 $0x1  }
0x35: {  	_ =	sfence.sel $0xFFFF  }
0x36: {  	[dreg:$0x0] =	wrdreg $0xFFFFFFFF;
	(pc) =	sbr.abs _section_cstart, $3  }
0x37: {  	[dreg:$0x1] =	wrdreg $0xFFFFFFFF  }
0x38: {  	_ =	task.clear_ibuf [dreg:s6], $0x2FFFF;
	_ =	strace $0x9FFFFFFF  }
0x39: {  	(tm) =	ssettm $0x7FFFFFFF  }
tec
execute0_lowered:
.L_overlay_start_1:
0x0: {  	(tag) =	ssettag $0x1  }
0x1: {  	s0 =	srdreg.scid;
	s5 =	rddreg [dreg:$0x0];
	s6 =	simm.s32 $0x2  }
0x2: {  	s15 =	simm.s32 $0x0;
	p0 =	por $0x0, $0x0;
	s1 =	sshll.u32 s0, $0x4  }
0x3: {  	s8 =	simm.s32 $0x1800;
	s0 =	stileid.u32;
	s1 =	sand.u32 $0x10, s1  }
0x4: {  	s14 =	simm.s32 $0x0;
	s9 =	simm.s32 $0x0;
	s1 =	sor.u32 s0, s1  }
0x5: {  	s10 =	simm.s32 $0x0;
	s12 =	simm.s32 $0x0;
	s2 =	sshll.u32 s1, $0x7  }
.Ltmp0:
0x6: {  	s13 =	simm.s32 $0x0;
	s3 =	ssub.s32 $0x18680, s2;
	(pc) =	sbr.rel .LBB1_1-.Ltmp0, $4  }
0x7: {  	s1 =	rddreg [dreg:$0x1];
	_ =	strace $0x80000047;
	s4 =	sshrl.u32 s3, $0xC  }
0x8: {  	s11 =	smov.u32 s2;
	s3 =	simm.s32 $0x1;
	s7 =	smul.u32 $0x6, s4  }
0x9: {  	s4 =	sadd.s32 $0xE00, s5;
	[sflag:s3] =	ssyncpa.u1 $0x0;
	s5 =	sadd.s32 $0x92AE00, s5  }
0xa: {  	[sflag:s6] =	ssyncpa.u1 $0x0;
	s6 =	sadd.s32 $0x6, s7;
	s7 =	sadd.s32 $0x7, s7  }
.LBB1_5:
0xb: {  	p1 =	slt.u32 s13, $0x2  }
0xc: {  	s17 =	smov.u32 s15;
	p2 =	sgt.s32 @!p1 s15, $0x18628;
	s16 =	sshra.s32 @!p1 s15, $0x1F  }
0xd: {  	p3 =	sgt.s32 @!p1 s14, $0x280;
	s18 =	sshra.s32 @!p1 s14, $0x1F;
	p2 =	por !p2, p1  }
0xe: {  	s15 =	sand.u32 @!p1 s16, s15;
	p3 =	por !p3, p1;
	s16 =	smov.u32 s14  }
0xf: {  	s14 =	sand.u32 @!p1 s18, s14;
	s17 =	simm.s32 @p2 $0x18628;
	s16 =	simm.s32 @p3 $0x280  }
0x10: {  	s15 =	ssub.s32 @!p1 s17, s15;
	s14 =	ssub.s32 @!p1 s16, s14  }
0x11: {  	s18 =	smov.u32 s12;
	s16 =	sadd.s32 @!p1 $0xFFFE79D8, s15;
	s17 =	sadd.s32 @!p1 $0xFFFFFD80, s14  }
0x12: {  	s15 =	ssub.s32 @!p1 $0x186A8, s15;
	p2 =	sgt.s32 @!p1 s16, $0x7F;
	p3 =	sgt.s32 @!p1 s17, $0x7F  }
0x13: {  	s14 =	ssub.s32 @!p1 $0x300, s14;
	p2 =	por !p2, p1;
	p3 =	por !p3, p1  }
0x14: {  	s16 =	sadd.s32 $0x1000, s11;
	s15 =	simm.s32 @!p2 $0x0;
	s14 =	simm.s32 @!p3 $0x0  }
0x15: {  	p2 =	sgt.s32 s16, $0x186A0;
	s14 =	smul.u32 @!p1 s14, s15;
	s15 =	sadd.s32 $0x80, s12  }
0x16: {  	s18 =	smov.u32 @p2 s15  }
0x17: {  	s16 =	smov.u32 @p2 s2;
	p2 =	sgt.s32 s18, $0x2FF  }
0x18: {  	s18 =	simm.s32 @p2 $0x0;
	p2 =	sne.s32 s13, s7  }
.Ltmp1:
0x19: {  	p0 =	por !p0, !p0;
	s17 =	simm.s32 @!p1 $0x2;
	(pc) =	sbr.rel @!p2 .LBB1_6-.Ltmp1, $4  }
0x1a: {  	s15 =	smov.u32 s9;
	s9 =	smov.u32 s11;
	s14 =	sand.u32 @!p1 $0x3FFFFFFF, s14  }
0x1b: {  	s11 =	smov.u32 s16;
	_ =	swait.ge @!p1 [sflag:s17], s14;
	s19 =	ssub.s32 @!p1 $0x0, s14  }
0x1c: {  	s14 =	smov.u32 s10;
	s13 =	sadd.s32 $0x1, s13;
	[sflag:s17] =	ssyncset.done @!p1 $0x0  }
0x1d: {  	s10 =	smov.u32 s12;
	s12 =	smov.u32 s18;
	[sflag:s17] =	ssyncadd.s32 @!p1 s19  }
.LBB1_1:
0x1e: {  	p1 =	sge.u32 s13, s6  }
0x1f: {  	s16 =	sshrl.u32 @!p1 s12, $0x3  }
0x20: {  	s17 =	sshll.u32 @!p1 s11, $0x3;
	s16 =	smul.u32 @!p1 $0xC3800, s16  }
0x21: {  	s18 =	sshll.u32 @!p1 s12, $0x7;
	s17 =	sand.u32 @!p1 $0xFFFFFC00, s17  }
0x22: {  	s16 =	sadd.s32 @!p1 s16, s17;
	s17 =	sand.u32 @!p1 $0x380, s18  }
0x23: {  	s16 =	sor.u32 @!p1 s17, s16  }
0x24: {  	s18 =	sand.u32 @!p1 $0x7F, s11;
	s17 =	smulhi.u32 @!p1 $0xA79C7B17, s16  }
0x25: {  	s16 =	sor.u32 @!p1 s18, s16  }
0x26: {  	s19 =	smulhi.u32 @!p1 $0xA79C7B17, s16;
	s17 =	sshrl.u32 @!p1 s17, $0x10  }
0x27: {  	s18 =	smul.u32 @!p1 $0xAAAB, s17  }
0x28: {  	s19 =	sshrl.u32 @!p1 s19, $0x10  }
0x29: {  	s19 =	smul.u32 @!p1 $0x18700, s19;
	s18 =	sshrl.u32 @!p1 s18, $0x19  }
0x2a: {  	s18 =	smul.u32 @!p1 $0x300, s18;
	_ =	sdelay $0x1  }
0x2b: {  	s16 =	ssub.s32 @!p1 s16, s19;
	s17 =	ssub.s32 @!p1 s17, s18  }
0x2c: {  	s19 =	sshrl.u32 @!p1 s16, $0x3;
	s16 =	sand.u32 @!p1 $0x7, s16;
	s17 =	sand.u32 @!p1 $0xFFFF, s17  }
0x2d: {  	s18 =	sxor.u32 @!p1 $0xFFFFFFFF, s13;
	s16 =	sshll.u32 @!p1 s16, $0x12;
	s17 =	smul.u32 @!p1 $0x30E0, s17  }
0x2e: {  	s19 =	sadd.s32 @!p1 s4, s19;
	s18 =	sshll.u32 @!p1 s18, $0xE;
	s16 =	sor.u32 @!p1 $0x400, s16  }
0x2f: {  	s18 =	sand.u32 @!p1 $0x4000, s18;
	s17 =	sadd.s32 @!p1 s17, s19;
	s19 =	simm.s32 @!p1 $0xC3800  }
0x30: {  	[tilespmem:s18], [sflag:$0x1] =	stream.strided.gather @!p1 [hbm4b:s17+s16], $0x4000, s19, s16, $0x38;
	[tilespmem:$0x10100] =	vst v63  }
0x31: {  	p1 =	seq.s32 s13, $0x0  }
0x32: {  	p2 =	sge.u32 @!p1 s13, s7  }
0x33: {  	p1 =	por p1, p2  }
.Ltmp2:
0x34: {  	_ = 	snop;
	(pc) =	sbr.rel @p1 .LBB1_5-.Ltmp2, $1  }
0x35: {  	_ =	sdelay $0x3  }
0x36: {  	s16 =	simm.s32 $0x1  }
0x37: {  	_ =	swait.ge [sflag:s3], $0x4000;
	s16 =	simm.s32 @!p0 $0x0  }
0x38: {  	[sflag:s3] =	ssyncset.done $0x0;
	s17 =	sshll.u32 s16, $0xE  }
0x39: {  	[sflag:s3] =	ssyncadd.s32 $0xFFFFC000;
	s17 =	sor.u32 $0x40, s17  }
0x3a: {  	s16 =	smul.u32 $0x10200, s16;
	v0 =	vld [tilespmem:s17+$0x30]  }
0x3b: {  	v1 =	vld [tilespmem:s17+$0xFFFFFFD0]  }
0x3c: {  	s16 =	sshrl.u32 s16, $0x2;
	v5 =	vld [tilespmem:s17+$0xFFFFFFE0]  }
0x3d: {  	v6 =	vld [tilespmem:s17+$0xFFFFFFF0];
	s19 =	sor.u32 $0x8000, s16  }
0x3e: {  	s31 =	sand.u32 $0x1, s13;
	v4 =	vld [tilespmem:s17+$0x0];
	s18 =	sadd.s32 $0x0, s19  }
0x3f: {  	v3 =	vld [tilespmem:s17+$0x10];
	s16 =	smul.u32 $0x10200, s31;
	[tilespmem:s18+$0x3870 ss:$0x81] =	vst.msk $0xffff, v0  }
0x40: {  	v2 =	vld [tilespmem:s17+$0x20];
	[tilespmem:s18+$0x810 ss:$0x81] =	vst.msk $0xffff, v1  }
0x41: {  	s16 =	sshrl.u32 s16, $0x2;
	v0 =	vld [tilespmem:s17+$0xFFFFFFC0];
	[tilespmem:s18+$0x1020 ss:$0x81] =	vst.msk $0xffff, v5;
	s17 =	sadd.s32 $0x80, s17  }
0x42: {  	s20 =	simm.s32 $0x4;
	s21 =	simm.s32 $0x8;
	s16 =	sor.u32 $0x8000, s16;
	[tilespmem:s18+$0x1830 ss:$0x81] =	vst.msk $0xffff, v6;
	v1 =	vld [tilespmem:s17+$0x30]  }
.LBB1_3:
0x43: {  	p1 =	sne.s32 s21, $0x1FC;
	v5 =	vld [tilespmem:s17+$0xFFFFFFD0];
	[tilespmem:s18+$0x2040 ss:$0x81] =	vst.msk $0xffff, v4  }
0x44: {  	v6 =	vld [tilespmem:s17+$0xFFFFFFE0];
	[tilespmem:s18+$0x2850 ss:$0x81] =	vst.msk $0xffff, v3  }
0x45: {  	s22 =	sshra.s32 s20, $0x2;
	s20 =	smov.u32 s21;
	v7 =	vld [tilespmem:s17+$0xFFFFFFF0];
	[tilespmem:s18+$0x3060 ss:$0x81] =	vst.msk $0xffff, v2  }
.Ltmp3:
0x46: {  	v4 =	vld [tilespmem:s17+$0x0];
	[tilespmem:s18+$0x0 ss:$0x81] =	vst.msk $0xffff, v0;
	s18 =	sadd.s32 s22, s19;
	(pc) =	sbr.rel @p1 .LBB1_3-.Ltmp3, $4  }
0x47: {  	v3 =	vld [tilespmem:s17+$0x10];
	[tilespmem:s18+$0x3870 ss:$0x81] =	vst.msk $0xffff, v1  }
0x48: {  	[tilespmem:s18+$0x810 ss:$0x81] =	vst.msk $0xffff, v5;
	v2 =	vld [tilespmem:s17+$0x20]  }
0x49: {  	v0 =	vld [tilespmem:s17+$0xFFFFFFC0];
	[tilespmem:s18+$0x1020 ss:$0x81] =	vst.msk $0xffff, v6;
	s17 =	sadd.s32 $0x80, s17  }
0x4a: {  	s21 =	sadd.s32 $0x4, s21;
	v1 =	vld [tilespmem:s17+$0x30];
	[tilespmem:s18+$0x1830 ss:$0x81] =	vst.msk $0xffff, v7  }
0x4b: {  	s21 =	sshrl.u32 s9, $0x3  }
0x4c: {  	s22 =	sshll.u32 s10, $0x3;
	s23 =	sshll.u32 s9, $0x7;
	s20 =	sshra.s32 s20, $0x2  }
0x4d: {  	s29 =	sand.u32 $0x7F, s10;
	p1 =	sgt.s32 s9, $0x18628;
	s21 =	smul.u32 $0x1800, s21  }
0x4e: {  	s24 =	sshra.s32 s9, $0x1F;
	s25 =	sshra.s32 s10, $0x1F;
	s22 =	sand.u32 $0xFFFFFC00, s22  }
0x4f: {  	s28 =	sand.u32 $0x380, s23;
	s23 =	smov.u32 s9;
	s21 =	sadd.s32 s22, s21  }
0x50: {  	s24 =	sand.u32 s24, s9;
	s25 =	sand.u32 s25, s10;
	s21 =	sor.u32 s28, s21  }
0x51: {  	v5 =	vld [tilespmem:s17+$0xFFFFFFD0];
	s23 =	simm.s32 @!p1 $0x18628;
	s30 =	sor.u32 s29, s21;
	s21 =	smulhi.u32 $0xAAAAAAAB, s21  }
0x52: {  	[tilespmem:s18+$0x2040 ss:$0x81] =	vst.msk $0xffff, v4;
	v58 =	vld [tilespmem:s17+$0xFFFFFFE0];
	p1 =	sgt.s32 s10, $0x280;
	s23 =	ssub.s32 s23, s24;
	s24 =	smov.u32 s10  }
0x53: {  	[tilespmem:s18+$0x2850 ss:$0x81] =	vst.msk $0xffff, v3;
	s24 =	simm.s32 @!p1 $0x280;
	s31 =	smulhi.u32 $0xAAAAAAAB, s30;
	s21 =	sshrl.u32 s21, $0x9  }
0x54: {  	v59 =	vld [tilespmem:s17+$0xFFFFFFF0];
	[tilespmem:s18+$0x3060 ss:$0x81] =	vst.msk $0xffff, v2;
	s27 =	sadd.s32 $0xFFFE79D8, s23;
	s24 =	ssub.s32 s24, s25;
	s26 =	smulhi.u32 $0x53E11F, s21  }
0x55: {  	v60 =	vld [tilespmem:s17+$0x0];
	s19 =	sadd.s32 s20, s19;
	[tilespmem:s18+$0x0 ss:$0x81] =	vst.msk $0xffff, v0;
	p1 =	sgt.s32 s27, $0x7F;
	s28 =	sadd.s32 $0xFFFFFD80, s24  }
0x56: {  	v61 =	vld [tilespmem:s17+$0x10];
	[tilespmem:s19+$0x3870 ss:$0x81] =	vst.msk $0xffff, v1;
	p2 =	sgt.s32 s28, $0x7F;
	s22 =	sshrl.u32 s31, $0x9;
	s18 =	sshrl.u32 s26, $0x7  }
0x57: {  	v62 =	vld [tilespmem:s17+$0x20];
	[tilespmem:s19+$0x810 ss:$0x81] =	vst.msk $0xffff, v5;
	s29 =	smul.u32 $0x186A8, s18;
	s18 =	ssub.s32 $0x186A8, s23;
	s23 =	ssub.s32 $0x300, s24  }
0x58: {  	v63 =	vld [tilespmem:s17+$0xFFFFFFC0];
	[tilespmem:s19+$0x1020 ss:$0x81] =	vst.msk $0xffff, v58;
	s22 =	smul.u32 $0x300, s22;
	s18 =	simm.s32 @p1 $0x0;
	s23 =	simm.s32 @p2 $0x0  }
0x59: {  	[tilespmem:s19+$0x1830 ss:$0x81] =	vst.msk $0xffff, v59;
	s18 =	smul.u32 s23, s18  }
.Ltmp4:
0x5a: {  	[tilespmem:s19+$0x2040 ss:$0x81] =	vst.msk $0xffff, v60;
	s20 =	ssub.s32 s30, s22;
	s17 =	ssub.s32 s21, s29;
	(pc) =	sbr.rel .LBB1_5-.Ltmp4, $4  }
0x5b: {  	[tilespmem:s19+$0x2850 ss:$0x81] =	vst.msk $0xffff, v61;
	s30 =	sshrl.u32 s20, $0x3;
	s20 =	sand.u32 $0x7, s20;
	s17 =	smul.u32 $0x60, s17  }
0x5c: {  	[tilespmem:s19+$0x3060 ss:$0x81] =	vst.msk $0xffff, v62;
	s21 =	sadd.s32 s5, s30;
	s20 =	sshll.u32 s20, $0x12  }
0x5d: {  	[tilespmem:s19+$0x0 ss:$0x81] =	vst.msk $0xffff, v63;
	s31 =	sor.u32 $0x400, s20;
	s18 =	sand.u32 $0x3FFFFFFF, s18;
	s17 =	sadd.s32 s17, s21  }
0x5e: {  	[hbm4b:s17+s31] =	stream.strided.scatter [tilespmem:s16], [sflag:$0x2], s18, s8, s31, $0x20;
	[tilespmem:$0x10100] =	vst v63  }
.LBB1_6:
0x5f: {  	_ =	sfence.sel $0x180000  }
0x60: {  	s2 =	simm.s32 $0x1;
	[bflag:$0x0] =	sbarrier.arrive $0xFFFF  }
0x61: {  	s31 =	simm.s32 $0x2;
	[sflag:s2] =	ssyncpa.u1 $0x1  }
0x62: {  	[sflag:s31] =	ssyncpa.u1 $0x1  }
0x63: {  	p0 =	sne.s32 s0, $0x0;
	_ =	strace $0x90000047  }
0x64: {  	s0 =	sadd.s32 @!p0 $0x100000, s1;
	[bflag:$0x2] =	sbarrier.arrive $0xFFFF  }
0x65: {  	[sflag:s0] =	ssyncadd.tile.s32 @!p0 $0x1;
	_ =	shalt  }
.Lfunc_end1:
_tile_overlayer_lowered:
.L_overlay_start_2:
0x66: {  	(tag) =	ssettag $0x2  }
0x67: {  	s0 =	rddreg [dreg:$0x0];
	s2 =	stileid.u32  }
0x68: {  	s1 =	rddreg [dreg:$0x1];
	p0 =	sne.s32 s2, $0x0  }
0x69: {  	s3 =	rddreg [dreg:$0x2];
	[bflag:$0x3] =	sbarrier.arrive $0xFFFF;
	s2 =	simm.s32 @!p0 $0x1C01  }
0x6a: {  	[timem:s3], [sflag:s2] =	dma.local @!p0 [hbm:s0], s1  }
0x6b: {  	s0 =	simm.s32 @!p0 $0x1  }
0x6c: {  	_ =	swait.ge @!p0 [sflag:s0], s1  }
0x6d: {  	s1 =	ssub.s32 @!p0 $0x0, s1;
	[sflag:s0] =	ssyncset.done @!p0 $0x0  }
0x6e: {  	[sflag:s0] =	ssyncadd.s32 @!p0 s1  }
0x6f: {  	[bflag:$0x3] =	sbarrier.arrive $0xFFFF  }
0x70: {  	_ =	shalt  }

</sc_bundles>
